<compile_context>
chip_gen: v7x
topology: tpu7x:2x2x1
jax: 0.10.2.dev20260603
libtpu: 0.0.44.dev20260713+nightly
codegen_flags: <defaults>
</compile_context>

<pallas_src>
import functools

import jax
import jax.numpy as jnp
import numpy as np
from jax import lax
from jax.experimental import pallas as pl
from jax.experimental.pallas import tpu as pltpu
from jax.experimental.pallas import tpu_sc as plsc

NC = 2
NS = 16
NW = NC * NS
K = 80
BN = 1024
LN = 128


def _sc_mesh():
    return plsc.VectorSubcoreMesh(
        core_axis_name="c", subcore_axis_name="s", num_cores=NC, num_subcores=NS
    )


def _make_deg_kernel(n_pad, ch):
    rows = n_pad // NS
    ch2 = ch // 2

    @functools.partial(
        pl.kernel,
        out_type=jax.ShapeDtypeStruct((NC, n_pad), jnp.float32),
        mesh=_sc_mesh(),
        scratch_types=[
            pltpu.VMEM((2, ch2, K), jnp.int32),
            pltpu.VMEM((K,), jnp.float32),
            pltpu.VMEM_SHARED((n_pad,), jnp.float32),
            pltpu.SemaphoreType.DMA,
        ],
    )
    def deg_kernel(dst_hbm, zeros_hbm, deg_out, idx_v, ones_v, acc_sh, sem):
        c = lax.axis_index("c")
        s = lax.axis_index("s")
        w = c * NS + s
        pltpu.sync_copy(zeros_hbm.at[pl.ds(s * rows, rows)],
                        acc_sh.at[pl.ds(s * rows, rows)])
        for i in range(K // 16):
            ones_v[pl.ds(i * 16, 16)] = jnp.ones((16,), jnp.float32)
        pltpu.sync_copy(dst_hbm.at[w], idx_v)
        plsc.subcore_barrier()

        def body(j, carry):
            pltpu.async_copy(ones_v, acc_sh.at[idx_v.at[j // ch2, j % ch2]],
                             sem, add=True)
            return carry

        lax.fori_loop(0, ch, body, 0)

        def drain(j, carry):
            pltpu.make_async_copy(ones_v,
                                  acc_sh.at[idx_v.at[j // ch2, j % ch2]],
                                  sem).wait()
            return carry

        lax.fori_loop(0, ch, drain, 0)
        plsc.subcore_barrier()
        pltpu.sync_copy(acc_sh.at[pl.ds(s * rows, rows)],
                        deg_out.at[c, pl.ds(s * rows, rows)])

    return deg_kernel


def _make_edge_kernel(n_pad, ch, d_hid):
    rows = n_pad // NS
    ch2 = ch // 2
    nt = ch2 // 3

    @functools.partial(
        pl.kernel,
        out_type=(
            jax.ShapeDtypeStruct((NC, n_pad, d_hid), jnp.float32),
            jax.ShapeDtypeStruct((NC, n_pad), jnp.float32),
        ),
        mesh=_sc_mesh(),
        scratch_types=[
            pltpu.VMEM((ch2, K), jnp.int32),
            pltpu.VMEM((ch2, K), jnp.int32),
            pltpu.VMEM((3, K, d_hid), jnp.float32),
            pltpu.VMEM((3, K), jnp.float32),
            pltpu.VMEM_SHARED((n_pad, d_hid), jnp.float32),
            pltpu.VMEM_SHARED((n_pad,), jnp.float32),
            pltpu.SemaphoreType.DMA,
            pltpu.SemaphoreType.DMA,
            pltpu.SemaphoreType.DMA,
            pltpu.SemaphoreType.DMA,
            pltpu.SemaphoreType.DMA,
            pltpu.SemaphoreType.DMA,
        ],
    )
    def edge_kernel(src_hbm, dst_hbm, y_hbm, dinv_hbm, zbig_hbm, zsmall_hbm,
                    a_out, s_out, srcv, dstv, rows_v, dval_v, a_sh, s_sh,
                    gsem0, gsem1, gsem2, ssem0, ssem1, ssem2):
        c = lax.axis_index("c")
        s = lax.axis_index("s")
        w = c * NS + s
        pltpu.sync_copy(zbig_hbm.at[pl.ds(s * rows, rows)],
                        a_sh.at[pl.ds(s * rows, rows)])
        pltpu.sync_copy(zsmall_hbm.at[pl.ds(s * rows, rows)],
                        s_sh.at[pl.ds(s * rows, rows)])
        plsc.subcore_barrier()

        gsem = (gsem0, gsem1, gsem2)
        ssem = (ssem0, ssem1, ssem2)

        def issue_gather(j, b):
            pltpu.async_copy(y_hbm.at[srcv.at[j]], rows_v.at[b], gsem[b])
            pltpu.async_copy(dinv_hbm.at[dstv.at[j]], dval_v.at[b], gsem[b])

        def wait_gather(j, b):
            pltpu.make_async_copy(y_hbm.at[srcv.at[j]], rows_v.at[b],
                                  gsem[b]).wait()
            pltpu.make_async_copy(dinv_hbm.at[dstv.at[j]], dval_v.at[b],
                                  gsem[b]).wait()

        def issue_scatter(j, b):
            pltpu.async_copy(rows_v.at[b], a_sh.at[dstv.at[j]], ssem[b],
                             add=True)
            pltpu.async_copy(dval_v.at[b], s_sh.at[srcv.at[j]], ssem[b],
                             add=True)

        def wait_scatter(j, b):
            pltpu.make_async_copy(rows_v.at[b], a_sh.at[dstv.at[j]],
                                  ssem[b]).wait()
            pltpu.make_async_copy(dval_v.at[b], s_sh.at[srcv.at[j]],
                                  ssem[b]).wait()

        for p in range(2):
            pltpu.sync_copy(src_hbm.at[w, p], srcv)
            pltpu.sync_copy(dst_hbm.at[w, p], dstv)
            issue_gather(0, 0)
            issue_gather(1, 1)

            def body(t, carry):
                j0 = 3 * t
                wait_gather(j0, 0)
                issue_scatter(j0, 0)

                @pl.when(t > 0)
                def _():
                    wait_scatter(j0 - 1, 2)

                issue_gather(j0 + 2, 2)
                wait_gather(j0 + 1, 1)
                issue_scatter(j0 + 1, 1)
                wait_scatter(j0, 0)

                @pl.when(t < nt - 1)
                def _():
                    issue_gather(j0 + 3, 0)

                wait_gather(j0 + 2, 2)
                issue_scatter(j0 + 2, 2)
                wait_scatter(j0 + 1, 1)

                @pl.when(t < nt - 1)
                def _():
                    issue_gather(j0 + 4, 1)

                return carry

            lax.fori_loop(0, nt, body, 0)
            wait_scatter(ch2 - 1, 2)

        plsc.subcore_barrier()
        pltpu.sync_copy(a_sh.at[pl.ds(s * rows, rows)],
                        a_out.at[c, pl.ds(s * rows, rows)])
        pltpu.sync_copy(s_sh.at[pl.ds(s * rows, rows)],
                        s_out.at[c, pl.ds(s * rows, rows)])

    return edge_kernel


def _tc1(x_pad, w1, deg3):
    n_pad, d_in = x_pad.shape
    d_hid = w1.shape[1]

    def body(x_ref, w1_ref, deg_ref, y_ref, dinv_ref):
        dinv = lax.rsqrt(deg_ref[0] + deg_ref[1] + 1.0)
        xw = jnp.dot(x_ref[...], w1_ref[...], preferred_element_type=jnp.float32)
        y_ref[...] = dinv * xw
        dinv_ref[...] = dinv

    return pl.pallas_call(
        body,
        grid=(n_pad // BN,),
        in_specs=[
            pl.BlockSpec((BN, d_in), lambda i: (i, 0)),
            pl.BlockSpec((d_in, d_hid), lambda i: (0, 0)),
            pl.BlockSpec((NC, BN, 1), lambda i: (0, i, 0)),
        ],
        out_specs=[
            pl.BlockSpec((BN, d_hid), lambda i: (i, 0)),
            pl.BlockSpec((BN, 1), lambda i: (i, 0)),
        ],
        out_shape=[
            jax.ShapeDtypeStruct((n_pad, d_hid), jnp.float32),
            jax.ShapeDtypeStruct((n_pad, 1), jnp.float32),
        ],
    )(x_pad, w1, deg3)


def _tc2(a2, y, dinv, s3, b1, w2, b2, n_real):
    nc, n_pad, d_hid = a2.shape
    d_out = w2.shape[1]
    ng = n_pad // BN

    def body(a_ref, y_ref, dinv_ref, s_ref, b1_ref, w2_ref, b2_ref,
             out_ref, acc):
        i = pl.program_id(0)
        a = a_ref[0] + a_ref[1]
        dv = dinv_ref[...]
        h1 = jnp.maximum(dv * (a + y_ref[...]) + b1_ref[...], 0.0)
        sv = s_ref[0] + s_ref[1]
        cvec = dv * (sv + dv)
        row = i * BN + lax.broadcasted_iota(jnp.int32, (BN, 1), 0)
        contrib = jnp.where(row < n_real, cvec * h1, 0.0)
        part = jnp.sum(contrib, axis=0, keepdims=True)

        @pl.when(i == 0)
        def _():
            acc[...] = part

        @pl.when(i > 0)
        def _():
            acc[...] = acc[...] + part

        @pl.when(i == ng - 1)
        def _():
            out_ref[...] = (
                jnp.dot(acc[...], w2_ref[...],
                        preferred_element_type=jnp.float32) * (1.0 / n_real)
                + b2_ref[...]
            )

    return pl.pallas_call(
        body,
        grid=(ng,),
        in_specs=[
            pl.BlockSpec((NC, BN, d_hid), lambda i: (0, i, 0)),
            pl.BlockSpec((BN, d_hid), lambda i: (i, 0)),
            pl.BlockSpec((BN, 1), lambda i: (i, 0)),
            pl.BlockSpec((NC, BN, 1), lambda i: (0, i, 0)),
            pl.BlockSpec((1, d_hid), lambda i: (0, 0)),
            pl.BlockSpec((d_hid, d_out), lambda i: (0, 0)),
            pl.BlockSpec((1, d_out), lambda i: (0, 0)),
        ],
        out_specs=pl.BlockSpec((1, d_out), lambda i: (0, 0)),
        out_shape=jax.ShapeDtypeStruct((1, d_out), jnp.float32),
        scratch_shapes=[pltpu.VMEM((1, d_hid), jnp.float32)],
    )(a2, y, dinv, s3, b1, w2, b2)


def kernel(x, edge_index, batch, W1, b1, W2, b2):
    n, d_in = x.shape
    e = edge_index.shape[1]
    d_hid = W1.shape[1]
    d_out = W2.shape[1]

    n_pad = -(-n // BN) * BN
    ch = -(-e // (NW * K * 6)) * 6
    e_pad = NW * K * ch
    if e_pad > e and n_pad == n:
        n_pad += BN

    if e_pad > e:
        pad_idx = jnp.asarray(
            n + (np.arange(e_pad - e, dtype=np.int32) % (n_pad - n)),
            jnp.int32)
        src = jnp.concatenate([edge_index[0], pad_idx])
        dst = jnp.concatenate([edge_index[1], pad_idx])
    else:
        src, dst = edge_index[0], edge_index[1]

    zeros_small = jnp.zeros((n_pad,), jnp.float32)
    zeros_big = jnp.zeros((n_pad, d_hid), jnp.float32)

    src4 = src.reshape(NW, 2, ch // 2, K)
    dst4 = dst.reshape(NW, 2, ch // 2, K)

    deg2 = _make_deg_kernel(n_pad, ch)(dst4, zeros_small)

    x_pad = jnp.pad(x, ((0, n_pad - n), (0, 0)))
    y, dinv = _tc1(x_pad, W1, deg2.reshape(NC, n_pad, 1))

    a2, s2 = _make_edge_kernel(n_pad, ch, d_hid)(
        src4, dst4, y, dinv.reshape(n_pad), zeros_big, zeros_small
    )

    return _tc2(
        a2, y, dinv, s2.reshape(NC, n_pad, 1),
        b1.reshape(1, d_hid), W2, b2.reshape(1, d_out), n
    )

# --- scband reference (transcript-rebuilt; emitter-appended) ---
"""Pipeline reference for scband-gcn-45260365365585 (READ-ONLY COPY).

The authoritative reference and input builder live on the scoring server;
editing this copy changes nothing except your own understanding.
"""

import jax, jax.numpy as jnp
import numpy as np

N_NODES = 10000
N_EDGES = 320000
D_IN = 128
D_HID = 128
D_OUT = 64


def setup_inputs(seed: int = 0) -> dict:
    key = jax.random.key(seed)
    ks = jax.random.split(key, 8)
    x = jax.random.normal(ks[0], (N_NODES, D_IN), dtype=jnp.float32)
    edge_index = jax.random.randint(ks[1], (2, N_EDGES), 0, N_NODES, dtype=jnp.int32)
    batch = jnp.zeros((N_NODES,), dtype=jnp.int32)
    W1 = jax.random.normal(ks[2], (D_IN, D_HID), dtype=jnp.float32) * 0.05
    b1 = jnp.zeros((D_HID,), dtype=jnp.float32)
    W2 = jax.random.normal(ks[3], (D_HID, D_OUT), dtype=jnp.float32) * 0.05
    b2 = jnp.zeros((D_OUT,), dtype=jnp.float32)
    return {"x": x, "edge_index": edge_index, "batch": batch, "W1": W1, "b1": b1, "W2": W2, "b2": b2}


def gcn_conv(x, edge_index, W, b):
    # Faithful PyG GCNConv: add self loops, symmetric degree normalization
    n = x.shape[0]
    loop = jnp.arange(n, dtype=edge_index.dtype)
    src = jnp.concatenate([edge_index[0], loop])
    dst = jnp.concatenate([edge_index[1], loop])
    deg = jnp.zeros((n,), dtype=x.dtype).at[dst].add(1.0)
    deg_inv_sqrt = jnp.where(deg > 0, jax.lax.rsqrt(jnp.maximum(deg, 1e-12)), 0.0)
    norm = deg_inv_sqrt[src] * deg_inv_sqrt[dst]
    xw = x @ W
    msg = xw[src] * norm[:, None]
    out = jnp.zeros((n, W.shape[1]), dtype=x.dtype).at[dst].add(msg)
    return out + b


def global_mean_pool(x, batch, num_graphs=1):
    sums = jax.ops.segment_sum(x, batch, num_segments=num_graphs)
    counts = jax.ops.segment_sum(jnp.ones((x.shape[0],), dtype=x.dtype), batch, num_segments=num_graphs)
    return sums / jnp.maximum(counts, 1.0)[:, None]


def reference(x, edge_index, batch, W1, b1, W2, b2):
    # layer 0: conv + relu (no dropout, eval mode)
    h = gcn_conv(x, edge_index, W1, b1)
    h = jax.nn.relu(h)
    # layer 1 (last): conv, no activation
    h = gcn_conv(h, edge_index, W2, b2)
    # pool=True -> global mean pool over batch assignment
    out = global_mean_pool(h, batch, num_graphs=1)
    return out

if __name__ == "__main__":
    import jax
    _d = setup_inputs()
    print(jax.jit(kernel)(*tuple(_d.values())))

</pallas_src>

<mosaic_0001>
#map = affine_map<(d0, d1) -> (0, 0, 0, 0)>
#map1 = affine_map<(d0, d1) -> (0)>
#map2 = affine_map<(d0, d1) -> (0, 0)>
module attributes {stable_mosaic.version = 14 : i64} {
  func.func @deg_kernel(%arg0: i32, %arg1: i32, %arg2: memref<32x2x63x80xi32, #tpu.memory_space<hbm>>, %arg3: memref<10240xf32, #tpu.memory_space<hbm>>, %arg4: memref<2x10240xf32, #tpu.memory_space<hbm>>, %arg5: memref<2x63x80xi32, #tpu.memory_space<vmem>>, %arg6: memref<80xf32, #tpu.memory_space<vmem>>, %arg7: memref<10240xf32, #tpu.memory_space<vmem_shared>>, %arg8: memref<!tpu.dma_semaphore, #tpu.memory_space<semaphore_mem>>) attributes {dimension_semantics = [#tpu.dimension_semantics<core_parallel>, #tpu.dimension_semantics<subcore_parallel>], iteration_bounds = array<i64: 2, 16>, scalar_prefetch = 0 : i64, scratch_operands = 4 : i64, tpu.core_type = #tpu.core_type<sc_vector_subcore>, window_params = [{transform_indices = #map}, {transform_indices = #map1}, {transform_indices = #map2}]} {
    %mul3A = arith.constant 16 : i32
    %mul3A_0 = arith.muli %arg0, %mul3A : i32
    %add3A = arith.addi %mul3A_0, %arg1 : i32
    %mul3A_1 = arith.constant 640 : i32
    %mul3A_2 = arith.muli %arg1, %mul3A_1 : i32
    %mul3A_3 = arith.constant 640 : i32
    %mul3A_4 = arith.muli %arg1, %mul3A_3 : i32
    "tpu.region"() ({
      %run_scoped3A = tpu.sem_alloc : memref<!tpu.dma_semaphore, #tpu.memory_space<semaphore_mem>>
      %dma_start3A = tpu.memref_slice %arg7[%mul3A_4] : memref<10240xf32, #tpu.memory_space<vmem_shared>> -> memref<640xf32, #tpu.memory_space<vmem_shared>>
      %dma_start3A_49 = tpu.memref_slice %arg3[%mul3A_2] : memref<10240xf32, #tpu.memory_space<hbm>> -> memref<640xf32, #tpu.memory_space<hbm>>
      tpu.enqueue_dma source(%dma_start3A_49 : memref<640xf32, #tpu.memory_space<hbm>>) target(%dma_start3A : memref<640xf32, #tpu.memory_space<vmem_shared>>) target_semaphore(%run_scoped3A : memref<!tpu.dma_semaphore, #tpu.memory_space<semaphore_mem>>)
      %dma_wait3A = tpu.memref_slice %arg7[%mul3A_4] : memref<10240xf32, #tpu.memory_space<vmem_shared>> -> memref<640xf32, #tpu.memory_space<vmem_shared>>
      %dma_wait3A_50 = tpu.memref_slice %arg3[%mul3A_2] : memref<10240xf32, #tpu.memory_space<hbm>> -> memref<640xf32, #tpu.memory_space<hbm>>
      tpu.wait_dma2 semaphore(%run_scoped3A : memref<!tpu.dma_semaphore, #tpu.memory_space<semaphore_mem>>) src(%dma_wait3A_50 : memref<640xf32, #tpu.memory_space<hbm>>) dst(%dma_wait3A : memref<640xf32, #tpu.memory_space<vmem_shared>>)
      tpu.yield
    }) : () -> ()
    %broadcast_in_dim3A = arith.constant 1.000000e+00 : f32
    %broadcast_in_dim3A_5 = vector.broadcast %broadcast_in_dim3A : f32 to vector<16xf32>
    %swap3A = arith.constant 0 : index
    %swap3A_6 = tpu.vector_load %arg6[%swap3A] {strides = array<i32>} : memref<80xf32, #tpu.memory_space<vmem>>, vector<16xf32>,
    %swap3A_7 = vector.shape_cast %swap3A_6 : vector<16xf32> to vector<16xf32>
    %swap3A_8 = vector.shape_cast %broadcast_in_dim3A_5 : vector<16xf32> to vector<16xf32>
    tpu.vector_store %arg6[%swap3A], %swap3A_8 {strides = array<i32>} : memref<80xf32, #tpu.memory_space<vmem>>, vector<16xf32>,
    %broadcast_in_dim3A_9 = arith.constant 1.000000e+00 : f32
    %broadcast_in_dim3A_10 = vector.broadcast %broadcast_in_dim3A_9 : f32 to vector<16xf32>
    %swap3A_11 = arith.constant 16 : index
    %swap3A_12 = tpu.vector_load %arg6[%swap3A_11] {strides = array<i32>} : memref<80xf32, #tpu.memory_space<vmem>>, vector<16xf32>,
    %swap3A_13 = vector.shape_cast %swap3A_12 : vector<16xf32> to vector<16xf32>
    %swap3A_14 = vector.shape_cast %broadcast_in_dim3A_10 : vector<16xf32> to vector<16xf32>
    tpu.vector_store %arg6[%swap3A_11], %swap3A_14 {strides = array<i32>} : memref<80xf32, #tpu.memory_space<vmem>>, vector<16xf32>,
    %broadcast_in_dim3A_15 = arith.constant 1.000000e+00 : f32
    %broadcast_in_dim3A_16 = vector.broadcast %broadcast_in_dim3A_15 : f32 to vector<16xf32>
    %swap3A_17 = arith.constant 32 : index
    %swap3A_18 = tpu.vector_load %arg6[%swap3A_17] {strides = array<i32>} : memref<80xf32, #tpu.memory_space<vmem>>, vector<16xf32>,
    %swap3A_19 = vector.shape_cast %swap3A_18 : vector<16xf32> to vector<16xf32>
    %swap3A_20 = vector.shape_cast %broadcast_in_dim3A_16 : vector<16xf32> to vector<16xf32>
    tpu.vector_store %arg6[%swap3A_17], %swap3A_20 {strides = array<i32>} : memref<80xf32, #tpu.memory_space<vmem>>, vector<16xf32>,
    %broadcast_in_dim3A_21 = arith.constant 1.000000e+00 : f32
    %broadcast_in_dim3A_22 = vector.broadcast %broadcast_in_dim3A_21 : f32 to vector<16xf32>
    %swap3A_23 = arith.constant 48 : index
    %swap3A_24 = tpu.vector_load %arg6[%swap3A_23] {strides = array<i32>} : memref<80xf32, #tpu.memory_space<vmem>>, vector<16xf32>,
    %swap3A_25 = vector.shape_cast %swap3A_24 : vector<16xf32> to vector<16xf32>
    %swap3A_26 = vector.shape_cast %broadcast_in_dim3A_22 : vector<16xf32> to vector<16xf32>
    tpu.vector_store %arg6[%swap3A_23], %swap3A_26 {strides = array<i32>} : memref<80xf32, #tpu.memory_space<vmem>>, vector<16xf32>,
    %broadcast_in_dim3A_27 = arith.constant 1.000000e+00 : f32
    %broadcast_in_dim3A_28 = vector.broadcast %broadcast_in_dim3A_27 : f32 to vector<16xf32>
    %swap3A_29 = arith.constant 64 : index
    %swap3A_30 = tpu.vector_load %arg6[%swap3A_29] {strides = array<i32>} : memref<80xf32, #tpu.memory_space<vmem>>, vector<16xf32>,
    %swap3A_31 = vector.shape_cast %swap3A_30 : vector<16xf32> to vector<16xf32>
    %swap3A_32 = vector.shape_cast %broadcast_in_dim3A_28 : vector<16xf32> to vector<16xf32>
    tpu.vector_store %arg6[%swap3A_29], %swap3A_32 {strides = array<i32>} : memref<80xf32, #tpu.memory_space<vmem>>, vector<16xf32>,
    "tpu.region"() ({
      %run_scoped3A = tpu.sem_alloc : memref<!tpu.dma_semaphore, #tpu.memory_space<semaphore_mem>>
      %dma_start3A = arith.constant 0 : i32
      %dma_start3A_49 = arith.constant 0 : i32
      %dma_start3A_50 = arith.constant 0 : i32
      %dma_start3A_51 = tpu.memref_slice %arg2[%add3A, %dma_start3A, %dma_start3A_49, %dma_start3A_50] : memref<32x2x63x80xi32, #tpu.memory_space<hbm>> -> memref<1x2x63x80xi32, #tpu.memory_space<hbm>>
      %dma_start3A_52 = tpu.memref_squeeze %dma_start3A_51 : memref<1x2x63x80xi32, #tpu.memory_space<hbm>> -> memref<2x63x80xi32, #tpu.memory_space<hbm>>
      %dma_start3A_53 = arith.constant 0 : i32
      %dma_start3A_54 = arith.constant 0 : i32
      %dma_start3A_55 = arith.constant 0 : i32
      %dma_start3A_56 = tpu.memref_slice %arg2[%add3A, %dma_start3A_53, %dma_start3A_54, %dma_start3A_55] : memref<32x2x63x80xi32, #tpu.memory_space<hbm>> -> memref<1x2x63x80xi32, #tpu.memory_space<hbm>>
      %dma_start3A_57 = tpu.memref_squeeze %dma_start3A_56 : memref<1x2x63x80xi32, #tpu.memory_space<hbm>> -> memref<2x63x80xi32, #tpu.memory_space<hbm>>
      tpu.enqueue_dma source(%dma_start3A_57 : memref<2x63x80xi32, #tpu.memory_space<hbm>>) target(%arg5 : memref<2x63x80xi32, #tpu.memory_space<vmem>>) target_semaphore(%run_scoped3A : memref<!tpu.dma_semaphore, #tpu.memory_space<semaphore_mem>>)
      %dma_wait3A = arith.constant 0 : i32
      %dma_wait3A_58 = arith.constant 0 : i32
      %dma_wait3A_59 = arith.constant 0 : i32
      %dma_wait3A_60 = tpu.memref_slice %arg2[%add3A, %dma_wait3A, %dma_wait3A_58, %dma_wait3A_59] : memref<32x2x63x80xi32, #tpu.memory_space<hbm>> -> memref<1x2x63x80xi32, #tpu.memory_space<hbm>>
      %dma_wait3A_61 = tpu.memref_squeeze %dma_wait3A_60 : memref<1x2x63x80xi32, #tpu.memory_space<hbm>> -> memref<2x63x80xi32, #tpu.memory_space<hbm>>
      %dma_wait3A_62 = arith.constant 0 : i32
      %dma_wait3A_63 = arith.constant 0 : i32
      %dma_wait3A_64 = arith.constant 0 : i32
      %dma_wait3A_65 = tpu.memref_slice %arg2[%add3A, %dma_wait3A_62, %dma_wait3A_63, %dma_wait3A_64] : memref<32x2x63x80xi32, #tpu.memory_space<hbm>> -> memref<1x2x63x80xi32, #tpu.memory_space<hbm>>
      %dma_wait3A_66 = tpu.memref_squeeze %dma_wait3A_65 : memref<1x2x63x80xi32, #tpu.memory_space<hbm>> -> memref<2x63x80xi32, #tpu.memory_space<hbm>>
      tpu.wait_dma2 semaphore(%run_scoped3A : memref<!tpu.dma_semaphore, #tpu.memory_space<semaphore_mem>>) src(%dma_wait3A_66 : memref<2x63x80xi32, #tpu.memory_space<hbm>>) dst(%arg5 : memref<2x63x80xi32, #tpu.memory_space<vmem>>)
      tpu.yield
    }) : () -> ()
    %barrier3A = arith.constant 0 : index
    tpu.barrier barrier_id(%barrier3A)
    %scan3A = arith.constant 0 : i32
    %scan3A_33 = arith.constant 0 : i32
    %scan3A_34 = arith.constant 126 : i32
    %scan3A_35 = arith.addi %scan3A_33, %scan3A_34 : i32
    %scan3A_36 = arith.constant 1 : i32
    scf.for %scan3A_49 = %scan3A_33 to %scan3A_35 step %scan3A_36  : i32 {
      %jit3A = arith.constant 63 : i32
      %div3A = arith.divsi %scan3A_49, %jit3A : i32
      %sign3A = arith.constant 0 : i32
      %sign3A_50 = arith.cmpi sgt, %scan3A_49, %sign3A : i32
      %sign3A_51 = arith.extui %sign3A_50 : i1 to i32
      %sign3A_52 = arith.constant 0 : i32
      %sign3A_53 = arith.cmpi slt, %scan3A_49, %sign3A_52 : i32
      %sign3A_54 = arith.extui %sign3A_53 : i1 to i32
      %sign3A_55 = arith.subi %sign3A_51, %sign3A_54 : i32
      %sign3A_56 = arith.constant 0 : i32
      %sign3A_57 = arith.cmpi sgt, %jit3A, %sign3A_56 : i32
      %sign3A_58 = arith.extui %sign3A_57 : i1 to i32
      %sign3A_59 = arith.constant 0 : i32
      %sign3A_60 = arith.cmpi slt, %jit3A, %sign3A_59 : i32
      %sign3A_61 = arith.extui %sign3A_60 : i1 to i32
      %sign3A_62 = arith.subi %sign3A_58, %sign3A_61 : i32
      %ne3A = arith.cmpi ne, %sign3A_55, %sign3A_62 : i32
      %rem3A = arith.remsi %scan3A_49, %jit3A : i32
      %ne3A_63 = arith.constant 0 : i32
      %ne3A_64 = arith.cmpi ne, %rem3A, %ne3A_63 : i32
      %and3A = arith.andi %ne3A, %ne3A_64 : i1
      %sub3A = arith.constant 1 : i32
      %sub3A_65 = arith.subi %div3A, %sub3A : i32
      %select_n3A = arith.select %and3A, %sub3A_65, %div3A : i32
      %jit3A_66 = arith.constant 63 : i32
      %eq3A = arith.constant 0 : i32
      %eq3A_67 = arith.cmpi eq, %jit3A_66, %eq3A : i32
      %jit3A_68 = arith.constant 1 : i32
      %select_n3A_69 = arith.select %eq3A_67, %jit3A_68, %jit3A_66 : i32
      %rem3A_70 = arith.remsi %scan3A_49, %select_n3A_69 : i32
      %ne3A_71 = arith.constant 0 : i32
      %ne3A_72 = arith.cmpi ne, %rem3A_70, %ne3A_71 : i32
      %lt3A = arith.constant 0 : i32
      %lt3A_73 = arith.cmpi slt, %rem3A_70, %lt3A : i32
      %lt3A_74 = arith.constant 0 : i32
      %lt3A_75 = arith.cmpi slt, %select_n3A_69, %lt3A_74 : i32
      %ne3A_76 = arith.xori %lt3A_73, %lt3A_75 : i1
      %and3A_77 = arith.andi %ne3A_76, %ne3A_72 : i1
      %add3A_78 = arith.addi %rem3A_70, %select_n3A_69 : i32
      %select_n3A_79 = arith.select %and3A_77, %add3A_78, %rem3A_70 : i32
      %dma_start3A = arith.constant 0 : i32
      %dma_start3A_80 = tpu.memref_slice %arg5[%select_n3A, %select_n3A_79, %dma_start3A] : memref<2x63x80xi32, #tpu.memory_space<vmem>> -> memref<1x1x80xi32, #tpu.memory_space<vmem>>
      %dma_start3A_81 = tpu.memref_squeeze %dma_start3A_80 : memref<1x1x80xi32, #tpu.memory_space<vmem>> -> memref<80xi32, #tpu.memory_space<vmem>>
      %dma_start3A_82 = arith.constant 0 : i32
      %dma_start3A_83 = tpu.memref_slice %arg7[%dma_start3A_82] : memref<10240xf32, #tpu.memory_space<vmem_shared>> -> memref<10240xf32, #tpu.memory_space<vmem_shared>>
      tpu.enqueue_indirect_dma source(%arg6 : memref<80xf32, #tpu.memory_space<vmem>>) target(%dma_start3A_83 : memref<10240xf32, #tpu.memory_space<vmem_shared>>) offsets(%dma_start3A_81 : memref<80xi32, #tpu.memory_space<vmem>>) semaphore(%arg8 : memref<!tpu.dma_semaphore, #tpu.memory_space<semaphore_mem>>) {add = true}
    }
    %scan3A_37 = arith.constant 126 : i32
    %scan3A_38 = arith.constant 0 : i32
    %scan3A_39 = arith.constant 0 : i32
    %scan3A_40 = arith.constant 126 : i32
    %scan3A_41 = arith.addi %scan3A_39, %scan3A_40 : i32
    %scan3A_42 = arith.constant 1 : i32
    scf.for %scan3A_49 = %scan3A_39 to %scan3A_41 step %scan3A_42  : i32 {
      %jit3A = arith.constant 63 : i32
      %div3A = arith.divsi %scan3A_49, %jit3A : i32
      %sign3A = arith.constant 0 : i32
      %sign3A_50 = arith.cmpi sgt, %scan3A_49, %sign3A : i32
      %sign3A_51 = arith.extui %sign3A_50 : i1 to i32
      %sign3A_52 = arith.constant 0 : i32
      %sign3A_53 = arith.cmpi slt, %scan3A_49, %sign3A_52 : i32
      %sign3A_54 = arith.extui %sign3A_53 : i1 to i32
      %sign3A_55 = arith.subi %sign3A_51, %sign3A_54 : i32
      %sign3A_56 = arith.constant 0 : i32
      %sign3A_57 = arith.cmpi sgt, %jit3A, %sign3A_56 : i32
      %sign3A_58 = arith.extui %sign3A_57 : i1 to i32
      %sign3A_59 = arith.constant 0 : i32
      %sign3A_60 = arith.cmpi slt, %jit3A, %sign3A_59 : i32
      %sign3A_61 = arith.extui %sign3A_60 : i1 to i32
      %sign3A_62 = arith.subi %sign3A_58, %sign3A_61 : i32
      %ne3A = arith.cmpi ne, %sign3A_55, %sign3A_62 : i32
      %rem3A = arith.remsi %scan3A_49, %jit3A : i32
      %ne3A_63 = arith.constant 0 : i32
      %ne3A_64 = arith.cmpi ne, %rem3A, %ne3A_63 : i32
      %and3A = arith.andi %ne3A, %ne3A_64 : i1
      %sub3A = arith.constant 1 : i32
      %sub3A_65 = arith.subi %div3A, %sub3A : i32
      %select_n3A = arith.select %and3A, %sub3A_65, %div3A : i32
      %jit3A_66 = arith.constant 63 : i32
      %eq3A = arith.constant 0 : i32
      %eq3A_67 = arith.cmpi eq, %jit3A_66, %eq3A : i32
      %jit3A_68 = arith.constant 1 : i32
      %select_n3A_69 = arith.select %eq3A_67, %jit3A_68, %jit3A_66 : i32
      %rem3A_70 = arith.remsi %scan3A_49, %select_n3A_69 : i32
      %ne3A_71 = arith.constant 0 : i32
      %ne3A_72 = arith.cmpi ne, %rem3A_70, %ne3A_71 : i32
      %lt3A = arith.constant 0 : i32
      %lt3A_73 = arith.cmpi slt, %rem3A_70, %lt3A : i32
      %lt3A_74 = arith.constant 0 : i32
      %lt3A_75 = arith.cmpi slt, %select_n3A_69, %lt3A_74 : i32
      %ne3A_76 = arith.xori %lt3A_73, %lt3A_75 : i1
      %and3A_77 = arith.andi %ne3A_76, %ne3A_72 : i1
      %add3A_78 = arith.addi %rem3A_70, %select_n3A_69 : i32
      %select_n3A_79 = arith.select %and3A_77, %add3A_78, %rem3A_70 : i32
      %dma_wait3A = arith.constant 0 : i32
      %dma_wait3A_80 = tpu.memref_slice %arg5[%select_n3A, %select_n3A_79, %dma_wait3A] : memref<2x63x80xi32, #tpu.memory_space<vmem>> -> memref<1x1x80xi32, #tpu.memory_space<vmem>>
      %dma_wait3A_81 = tpu.memref_squeeze %dma_wait3A_80 : memref<1x1x80xi32, #tpu.memory_space<vmem>> -> memref<80xi32, #tpu.memory_space<vmem>>
      %dma_wait3A_82 = arith.constant 0 : i32
      %dma_wait3A_83 = tpu.memref_slice %arg7[%dma_wait3A_82] : memref<10240xf32, #tpu.memory_space<vmem_shared>> -> memref<10240xf32, #tpu.memory_space<vmem_shared>>
      tpu.wait_indirect_dma semaphore(%arg8 : memref<!tpu.dma_semaphore, #tpu.memory_space<semaphore_mem>>) src(%arg6 : memref<80xf32, #tpu.memory_space<vmem>>) dst(%dma_wait3A_83 : memref<10240xf32, #tpu.memory_space<vmem_shared>>)
    }
    %scan3A_43 = arith.constant 126 : i32
    %barrier3A_44 = arith.constant 0 : index
    tpu.barrier barrier_id(%barrier3A_44)
    %mul3A_45 = arith.constant 640 : i32
    %mul3A_46 = arith.muli %arg1, %mul3A_45 : i32
    %mul3A_47 = arith.constant 640 : i32
    %mul3A_48 = arith.muli %arg1, %mul3A_47 : i32
    "tpu.region"() ({
      %run_scoped3A = tpu.sem_alloc : memref<!tpu.dma_semaphore, #tpu.memory_space<semaphore_mem>>
      %dma_start3A = tpu.memref_slice %arg4[%arg0, %mul3A_48] : memref<2x10240xf32, #tpu.memory_space<hbm>> -> memref<1x640xf32, #tpu.memory_space<hbm>>
      %dma_start3A_49 = tpu.memref_squeeze %dma_start3A : memref<1x640xf32, #tpu.memory_space<hbm>> -> memref<640xf32, #tpu.memory_space<hbm>>
      %dma_start3A_50 = tpu.memref_slice %arg7[%mul3A_46] : memref<10240xf32, #tpu.memory_space<vmem_shared>> -> memref<640xf32, #tpu.memory_space<vmem_shared>>
      tpu.enqueue_dma source(%dma_start3A_50 : memref<640xf32, #tpu.memory_space<vmem_shared>>) target(%dma_start3A_49 : memref<640xf32, #tpu.memory_space<hbm>>) target_semaphore(%run_scoped3A : memref<!tpu.dma_semaphore, #tpu.memory_space<semaphore_mem>>)
      %dma_wait3A = tpu.memref_slice %arg4[%arg0, %mul3A_48] : memref<2x10240xf32, #tpu.memory_space<hbm>> -> memref<1x640xf32, #tpu.memory_space<hbm>>
      %dma_wait3A_51 = tpu.memref_squeeze %dma_wait3A : memref<1x640xf32, #tpu.memory_space<hbm>> -> memref<640xf32, #tpu.memory_space<hbm>>
      %dma_wait3A_52 = tpu.memref_slice %arg7[%mul3A_46] : memref<10240xf32, #tpu.memory_space<vmem_shared>> -> memref<640xf32, #tpu.memory_space<vmem_shared>>
      tpu.wait_dma2 semaphore(%run_scoped3A : memref<!tpu.dma_semaphore, #tpu.memory_space<semaphore_mem>>) src(%dma_wait3A_52 : memref<640xf32, #tpu.memory_space<vmem_shared>>) dst(%dma_wait3A_51 : memref<640xf32, #tpu.memory_space<hbm>>)
      tpu.yield
    }) : () -> ()
    return
  }
}

#map = affine_map<(d0, d1) -> (0, 0, 0, 0)>
#map1 = affine_map<(d0, d1) -> (0, 0)>
#map2 = affine_map<(d0, d1) -> (0)>
#map3 = affine_map<(d0, d1) -> (0, 0, 0)>
module attributes {stable_mosaic.version = 14 : i64} {
  func.func @edge_kernel(%arg0: i32, %arg1: i32, %arg2: memref<32x2x63x80xi32, #tpu.memory_space<hbm>>, %arg3: memref<32x2x63x80xi32, #tpu.memory_space<hbm>>, %arg4: memref<10240x128xf32, #tpu.memory_space<hbm>>, %arg5: memref<10240xf32, #tpu.memory_space<hbm>>, %arg6: memref<10240x128xf32, #tpu.memory_space<hbm>>, %arg7: memref<10240xf32, #tpu.memory_space<hbm>>, %arg8: memref<2x10240x128xf32, #tpu.memory_space<hbm>>, %arg9: memref<2x10240xf32, #tpu.memory_space<hbm>>, %arg10: memref<63x80xi32, #tpu.memory_space<vmem>>, %arg11: memref<63x80xi32, #tpu.memory_space<vmem>>, %arg12: memref<3x80x128xf32, #tpu.memory_space<vmem>>, %arg13: memref<3x80xf32, #tpu.memory_space<vmem>>, %arg14: memref<10240x128xf32, #tpu.memory_space<vmem_shared>>, %arg15: memref<10240xf32, #tpu.memory_space<vmem_shared>>, %arg16: memref<!tpu.dma_semaphore, #tpu.memory_space<semaphore_mem>>, %arg17: memref<!tpu.dma_semaphore, #tpu.memory_space<semaphore_mem>>, %arg18: memref<!tpu.dma_semaphore, #tpu.memory_space<semaphore_mem>>, %arg19: memref<!tpu.dma_semaphore, #tpu.memory_space<semaphore_mem>>, %arg20: memref<!tpu.dma_semaphore, #tpu.memory_space<semaphore_mem>>, %arg21: memref<!tpu.dma_semaphore, #tpu.memory_space<semaphore_mem>>) attributes {dimension_semantics = [#tpu.dimension_semantics<core_parallel>, #tpu.dimension_semantics<subcore_parallel>], iteration_bounds = array<i64: 2, 16>, scalar_prefetch = 0 : i64, scratch_operands = 12 : i64, tpu.core_type = #tpu.core_type<sc_vector_subcore>, window_params = [{transform_indices = #map}, {transform_indices = #map}, {transform_indices = #map1}, {transform_indices = #map2}, {transform_indices = #map1}, {transform_indices = #map2}, {transform_indices = #map3}, {transform_indices = #map1}]} {
    %mul3A = arith.constant 16 : i32
    %mul3A_0 = arith.muli %arg0, %mul3A : i32
    %add3A = arith.addi %mul3A_0, %arg1 : i32
    %mul3A_1 = arith.constant 640 : i32
    %mul3A_2 = arith.muli %arg1, %mul3A_1 : i32
    %mul3A_3 = arith.constant 640 : i32
    %mul3A_4 = arith.muli %arg1, %mul3A_3 : i32
    "tpu.region"() ({
      %run_scoped3A_162 = tpu.sem_alloc : memref<!tpu.dma_semaphore, #tpu.memory_space<semaphore_mem>>
      %dma_start3A_163 = arith.constant 0 : i32
      %dma_start3A_164 = tpu.memref_slice %arg14[%mul3A_4, %dma_start3A_163] : memref<10240x128xf32, #tpu.memory_space<vmem_shared>> -> memref<640x128xf32, #tpu.memory_space<vmem_shared>>
      %dma_start3A_165 = arith.constant 0 : i32
      %dma_start3A_166 = tpu.memref_slice %arg6[%mul3A_2, %dma_start3A_165] : memref<10240x128xf32, #tpu.memory_space<hbm>> -> memref<640x128xf32, #tpu.memory_space<hbm>>
      tpu.enqueue_dma source(%dma_start3A_166 : memref<640x128xf32, #tpu.memory_space<hbm>>) target(%dma_start3A_164 : memref<640x128xf32, #tpu.memory_space<vmem_shared>>) target_semaphore(%run_scoped3A_162 : memref<!tpu.dma_semaphore, #tpu.memory_space<semaphore_mem>>)
      %dma_wait3A_167 = arith.constant 0 : i32
      %dma_wait3A_168 = tpu.memref_slice %arg14[%mul3A_4, %dma_wait3A_167] : memref<10240x128xf32, #tpu.memory_space<vmem_shared>> -> memref<640x128xf32, #tpu.memory_space<vmem_shared>>
      %dma_wait3A_169 = arith.constant 0 : i32
      %dma_wait3A_170 = tpu.memref_slice %arg6[%mul3A_2, %dma_wait3A_169] : memref<10240x128xf32, #tpu.memory_space<hbm>> -> memref<640x128xf32, #tpu.memory_space<hbm>>
      tpu.wait_dma2 semaphore(%run_scoped3A_162 : memref<!tpu.dma_semaphore, #tpu.memory_space<semaphore_mem>>) src(%dma_wait3A_170 : memref<640x128xf32, #tpu.memory_space<hbm>>) dst(%dma_wait3A_168 : memref<640x128xf32, #tpu.memory_space<vmem_shared>>)
      tpu.yield
    }) : () -> ()
    %mul3A_5 = arith.constant 640 : i32
    %mul3A_6 = arith.muli %arg1, %mul3A_5 : i32
    %mul3A_7 = arith.constant 640 : i32
    %mul3A_8 = arith.muli %arg1, %mul3A_7 : i32
    "tpu.region"() ({
      %run_scoped3A_162 = tpu.sem_alloc : memref<!tpu.dma_semaphore, #tpu.memory_space<semaphore_mem>>
      %dma_start3A_163 = tpu.memref_slice %arg15[%mul3A_8] : memref<10240xf32, #tpu.memory_space<vmem_shared>> -> memref<640xf32, #tpu.memory_space<vmem_shared>>
      %dma_start3A_164 = tpu.memref_slice %arg7[%mul3A_6] : memref<10240xf32, #tpu.memory_space<hbm>> -> memref<640xf32, #tpu.memory_space<hbm>>
      tpu.enqueue_dma source(%dma_start3A_164 : memref<640xf32, #tpu.memory_space<hbm>>) target(%dma_start3A_163 : memref<640xf32, #tpu.memory_space<vmem_shared>>) target_semaphore(%run_scoped3A_162 : memref<!tpu.dma_semaphore, #tpu.memory_space<semaphore_mem>>)
      %dma_wait3A_165 = tpu.memref_slice %arg15[%mul3A_8] : memref<10240xf32, #tpu.memory_space<vmem_shared>> -> memref<640xf32, #tpu.memory_space<vmem_shared>>
      %dma_wait3A_166 = tpu.memref_slice %arg7[%mul3A_6] : memref<10240xf32, #tpu.memory_space<hbm>> -> memref<640xf32, #tpu.memory_space<hbm>>
      tpu.wait_dma2 semaphore(%run_scoped3A_162 : memref<!tpu.dma_semaphore, #tpu.memory_space<semaphore_mem>>) src(%dma_wait3A_166 : memref<640xf32, #tpu.memory_space<hbm>>) dst(%dma_wait3A_165 : memref<640xf32, #tpu.memory_space<vmem_shared>>)
      tpu.yield
    }) : () -> ()
    %barrier3A = arith.constant 0 : index
    tpu.barrier barrier_id(%barrier3A)
    %run_scoped3A = arith.constant 0 : i32
    "tpu.region"() ({
      %run_scoped3A_162 = tpu.sem_alloc : memref<!tpu.dma_semaphore, #tpu.memory_space<semaphore_mem>>
      %dma_start3A_163 = arith.constant 0 : i32
      %dma_start3A_164 = arith.constant 0 : i32
      %dma_start3A_165 = tpu.memref_slice %arg2[%add3A, %run_scoped3A, %dma_start3A_163, %dma_start3A_164] : memref<32x2x63x80xi32, #tpu.memory_space<hbm>> -> memref<1x1x63x80xi32, #tpu.memory_space<hbm>>
      %dma_start3A_166 = tpu.memref_squeeze %dma_start3A_165 : memref<1x1x63x80xi32, #tpu.memory_space<hbm>> -> memref<63x80xi32, #tpu.memory_space<hbm>>
      %dma_start3A_167 = arith.constant 0 : i32
      %dma_start3A_168 = arith.constant 0 : i32
      %dma_start3A_169 = tpu.memref_slice %arg2[%add3A, %run_scoped3A, %dma_start3A_167, %dma_start3A_168] : memref<32x2x63x80xi32, #tpu.memory_space<hbm>> -> memref<1x1x63x80xi32, #tpu.memory_space<hbm>>
      %dma_start3A_170 = tpu.memref_squeeze %dma_start3A_169 : memref<1x1x63x80xi32, #tpu.memory_space<hbm>> -> memref<63x80xi32, #tpu.memory_space<hbm>>
      tpu.enqueue_dma source(%dma_start3A_170 : memref<63x80xi32, #tpu.memory_space<hbm>>) target(%arg10 : memref<63x80xi32, #tpu.memory_space<vmem>>) target_semaphore(%run_scoped3A_162 : memref<!tpu.dma_semaphore, #tpu.memory_space<semaphore_mem>>)
      %dma_wait3A_171 = arith.constant 0 : i32
      %dma_wait3A_172 = arith.constant 0 : i32
      %dma_wait3A_173 = tpu.memref_slice %arg2[%add3A, %run_scoped3A, %dma_wait3A_171, %dma_wait3A_172] : memref<32x2x63x80xi32, #tpu.memory_space<hbm>> -> memref<1x1x63x80xi32, #tpu.memory_space<hbm>>
      %dma_wait3A_174 = tpu.memref_squeeze %dma_wait3A_173 : memref<1x1x63x80xi32, #tpu.memory_space<hbm>> -> memref<63x80xi32, #tpu.memory_space<hbm>>
      %dma_wait3A_175 = arith.constant 0 : i32
      %dma_wait3A_176 = arith.constant 0 : i32
      %dma_wait3A_177 = tpu.memref_slice %arg2[%add3A, %run_scoped3A, %dma_wait3A_175, %dma_wait3A_176] : memref<32x2x63x80xi32, #tpu.memory_space<hbm>> -> memref<1x1x63x80xi32, #tpu.memory_space<hbm>>
      %dma_wait3A_178 = tpu.memref_squeeze %dma_wait3A_177 : memref<1x1x63x80xi32, #tpu.memory_space<hbm>> -> memref<63x80xi32, #tpu.memory_space<hbm>>
      tpu.wait_dma2 semaphore(%run_scoped3A_162 : memref<!tpu.dma_semaphore, #tpu.memory_space<semaphore_mem>>) src(%dma_wait3A_178 : memref<63x80xi32, #tpu.memory_space<hbm>>) dst(%arg10 : memref<63x80xi32, #tpu.memory_space<vmem>>)
      tpu.yield
    }) : () -> ()
    %run_scoped3A_9 = arith.constant 0 : i32
    "tpu.region"() ({
      %run_scoped3A_162 = tpu.sem_alloc : memref<!tpu.dma_semaphore, #tpu.memory_space<semaphore_mem>>
      %dma_start3A_163 = arith.constant 0 : i32
      %dma_start3A_164 = arith.constant 0 : i32
      %dma_start3A_165 = tpu.memref_slice %arg3[%add3A, %run_scoped3A_9, %dma_start3A_163, %dma_start3A_164] : memref<32x2x63x80xi32, #tpu.memory_space<hbm>> -> memref<1x1x63x80xi32, #tpu.memory_space<hbm>>
      %dma_start3A_166 = tpu.memref_squeeze %dma_start3A_165 : memref<1x1x63x80xi32, #tpu.memory_space<hbm>> -> memref<63x80xi32, #tpu.memory_space<hbm>>
      %dma_start3A_167 = arith.constant 0 : i32
      %dma_start3A_168 = arith.constant 0 : i32
      %dma_start3A_169 = tpu.memref_slice %arg3[%add3A, %run_scoped3A_9, %dma_start3A_167, %dma_start3A_168] : memref<32x2x63x80xi32, #tpu.memory_space<hbm>> -> memref<1x1x63x80xi32, #tpu.memory_space<hbm>>
      %dma_start3A_170 = tpu.memref_squeeze %dma_start3A_169 : memref<1x1x63x80xi32, #tpu.memory_space<hbm>> -> memref<63x80xi32, #tpu.memory_space<hbm>>
      tpu.enqueue_dma source(%dma_start3A_170 : memref<63x80xi32, #tpu.memory_space<hbm>>) target(%arg11 : memref<63x80xi32, #tpu.memory_space<vmem>>) target_semaphore(%run_scoped3A_162 : memref<!tpu.dma_semaphore, #tpu.memory_space<semaphore_mem>>)
      %dma_wait3A_171 = arith.constant 0 : i32
      %dma_wait3A_172 = arith.constant 0 : i32
      %dma_wait3A_173 = tpu.memref_slice %arg3[%add3A, %run_scoped3A_9, %dma_wait3A_171, %dma_wait3A_172] : memref<32x2x63x80xi32, #tpu.memory_space<hbm>> -> memref<1x1x63x80xi32, #tpu.memory_space<hbm>>
      %dma_wait3A_174 = tpu.memref_squeeze %dma_wait3A_173 : memref<1x1x63x80xi32, #tpu.memory_space<hbm>> -> memref<63x80xi32, #tpu.memory_space<hbm>>
      %dma_wait3A_175 = arith.constant 0 : i32
      %dma_wait3A_176 = arith.constant 0 : i32
      %dma_wait3A_177 = tpu.memref_slice %arg3[%add3A, %run_scoped3A_9, %dma_wait3A_175, %dma_wait3A_176] : memref<32x2x63x80xi32, #tpu.memory_space<hbm>> -> memref<1x1x63x80xi32, #tpu.memory_space<hbm>>
      %dma_wait3A_178 = tpu.memref_squeeze %dma_wait3A_177 : memref<1x1x63x80xi32, #tpu.memory_space<hbm>> -> memref<63x80xi32, #tpu.memory_space<hbm>>
      tpu.wait_dma2 semaphore(%run_scoped3A_162 : memref<!tpu.dma_semaphore, #tpu.memory_space<semaphore_mem>>) src(%dma_wait3A_178 : memref<63x80xi32, #tpu.memory_space<hbm>>) dst(%arg11 : memref<63x80xi32, #tpu.memory_space<vmem>>)
      tpu.yield
    }) : () -> ()
    %dma_start3A = arith.constant 0 : i32
    %dma_start3A_10 = arith.constant 0 : i32
    %dma_start3A_11 = arith.constant 0 : i32
    %dma_start3A_12 = arith.constant 0 : i32
    %dma_start3A_13 = tpu.memref_slice %arg12[%dma_start3A_10, %dma_start3A_11, %dma_start3A_12] : memref<3x80x128xf32, #tpu.memory_space<vmem>> -> memref<1x80x128xf32, #tpu.memory_space<vmem>>
    %dma_start3A_14 = tpu.memref_squeeze %dma_start3A_13 : memref<1x80x128xf32, #tpu.memory_space<vmem>> -> memref<80x128xf32, #tpu.memory_space<vmem>>
    %dma_start3A_15 = arith.constant 0 : i32
    %dma_start3A_16 = tpu.memref_slice %arg10[%dma_start3A, %dma_start3A_15] : memref<63x80xi32, #tpu.memory_space<vmem>> -> memref<1x80xi32, #tpu.memory_space<vmem>>
    %dma_start3A_17 = tpu.memref_squeeze %dma_start3A_16 : memref<1x80xi32, #tpu.memory_space<vmem>> -> memref<80xi32, #tpu.memory_space<vmem>>
    %dma_start3A_18 = arith.constant 0 : i32
    %dma_start3A_19 = arith.constant 0 : i32
    %dma_start3A_20 = tpu.memref_slice %arg4[%dma_start3A_18, %dma_start3A_19] : memref<10240x128xf32, #tpu.memory_space<hbm>> -> memref<10240x128xf32, #tpu.memory_space<hbm>>
    tpu.enqueue_indirect_dma source(%dma_start3A_20 : memref<10240x128xf32, #tpu.memory_space<hbm>>) target(%dma_start3A_14 : memref<80x128xf32, #tpu.memory_space<vmem>>) offsets(%dma_start3A_17 : memref<80xi32, #tpu.memory_space<vmem>>) semaphore(%arg16 : memref<!tpu.dma_semaphore, #tpu.memory_space<semaphore_mem>>)
    %dma_start3A_21 = arith.constant 0 : i32
    %dma_start3A_22 = arith.constant 0 : i32
    %dma_start3A_23 = arith.constant 0 : i32
    %dma_start3A_24 = tpu.memref_slice %arg13[%dma_start3A_22, %dma_start3A_23] : memref<3x80xf32, #tpu.memory_space<vmem>> -> memref<1x80xf32, #tpu.memory_space<vmem>>
    %dma_start3A_25 = tpu.memref_squeeze %dma_start3A_24 : memref<1x80xf32, #tpu.memory_space<vmem>> -> memref<80xf32, #tpu.memory_space<vmem>>
    %dma_start3A_26 = arith.constant 0 : i32
    %dma_start3A_27 = tpu.memref_slice %arg11[%dma_start3A_21, %dma_start3A_26] : memref<63x80xi32, #tpu.memory_space<vmem>> -> memref<1x80xi32, #tpu.memory_space<vmem>>
    %dma_start3A_28 = tpu.memref_squeeze %dma_start3A_27 : memref<1x80xi32, #tpu.memory_space<vmem>> -> memref<80xi32, #tpu.memory_space<vmem>>
    %dma_start3A_29 = arith.constant 0 : i32
    %dma_start3A_30 = tpu.memref_slice %arg5[%dma_start3A_29] : memref<10240xf32, #tpu.memory_space<hbm>> -> memref<10240xf32, #tpu.memory_space<hbm>>
    tpu.enqueue_indirect_dma source(%dma_start3A_30 : memref<10240xf32, #tpu.memory_space<hbm>>) target(%dma_start3A_25 : memref<80xf32, #tpu.memory_space<vmem>>) offsets(%dma_start3A_28 : memref<80xi32, #tpu.memory_space<vmem>>) semaphore(%arg16 : memref<!tpu.dma_semaphore, #tpu.memory_space<semaphore_mem>>)
    %dma_start3A_31 = arith.constant 1 : i32
    %dma_start3A_32 = arith.constant 1 : i32
    %dma_start3A_33 = arith.constant 0 : i32
    %dma_start3A_34 = arith.constant 0 : i32
    %dma_start3A_35 = tpu.memref_slice %arg12[%dma_start3A_32, %dma_start3A_33, %dma_start3A_34] : memref<3x80x128xf32, #tpu.memory_space<vmem>> -> memref<1x80x128xf32, #tpu.memory_space<vmem>>
    %dma_start3A_36 = tpu.memref_squeeze %dma_start3A_35 : memref<1x80x128xf32, #tpu.memory_space<vmem>> -> memref<80x128xf32, #tpu.memory_space<vmem>>
    %dma_start3A_37 = arith.constant 0 : i32
    %dma_start3A_38 = tpu.memref_slice %arg10[%dma_start3A_31, %dma_start3A_37] : memref<63x80xi32, #tpu.memory_space<vmem>> -> memref<1x80xi32, #tpu.memory_space<vmem>>
    %dma_start3A_39 = tpu.memref_squeeze %dma_start3A_38 : memref<1x80xi32, #tpu.memory_space<vmem>> -> memref<80xi32, #tpu.memory_space<vmem>>
    %dma_start3A_40 = arith.constant 0 : i32
    %dma_start3A_41 = arith.constant 0 : i32
    %dma_start3A_42 = tpu.memref_slice %arg4[%dma_start3A_40, %dma_start3A_41] : memref<10240x128xf32, #tpu.memory_space<hbm>> -> memref<10240x128xf32, #tpu.memory_space<hbm>>
    tpu.enqueue_indirect_dma source(%dma_start3A_42 : memref<10240x128xf32, #tpu.memory_space<hbm>>) target(%dma_start3A_36 : memref<80x128xf32, #tpu.memory_space<vmem>>) offsets(%dma_start3A_39 : memref<80xi32, #tpu.memory_space<vmem>>) semaphore(%arg17 : memref<!tpu.dma_semaphore, #tpu.memory_space<semaphore_mem>>)
    %dma_start3A_43 = arith.constant 1 : i32
    %dma_start3A_44 = arith.constant 1 : i32
    %dma_start3A_45 = arith.constant 0 : i32
    %dma_start3A_46 = tpu.memref_slice %arg13[%dma_start3A_44, %dma_start3A_45] : memref<3x80xf32, #tpu.memory_space<vmem>> -> memref<1x80xf32, #tpu.memory_space<vmem>>
    %dma_start3A_47 = tpu.memref_squeeze %dma_start3A_46 : memref<1x80xf32, #tpu.memory_space<vmem>> -> memref<80xf32, #tpu.memory_space<vmem>>
    %dma_start3A_48 = arith.constant 0 : i32
    %dma_start3A_49 = tpu.memref_slice %arg11[%dma_start3A_43, %dma_start3A_48] : memref<63x80xi32, #tpu.memory_space<vmem>> -> memref<1x80xi32, #tpu.memory_space<vmem>>
    %dma_start3A_50 = tpu.memref_squeeze %dma_start3A_49 : memref<1x80xi32, #tpu.memory_space<vmem>> -> memref<80xi32, #tpu.memory_space<vmem>>
    %dma_start3A_51 = arith.constant 0 : i32
    %dma_start3A_52 = tpu.memref_slice %arg5[%dma_start3A_51] : memref<10240xf32, #tpu.memory_space<hbm>> -> memref<10240xf32, #tpu.memory_space<hbm>>
    tpu.enqueue_indirect_dma source(%dma_start3A_52 : memref<10240xf32, #tpu.memory_space<hbm>>) target(%dma_start3A_47 : memref<80xf32, #tpu.memory_space<vmem>>) offsets(%dma_start3A_50 : memref<80xi32, #tpu.memory_space<vmem>>) semaphore(%arg17 : memref<!tpu.dma_semaphore, #tpu.memory_space<semaphore_mem>>)
    %scan3A = arith.constant 0 : i32
    %scan3A_53 = arith.constant 0 : i32
    %scan3A_54 = arith.constant 21 : i32
    %scan3A_55 = arith.addi %scan3A_53, %scan3A_54 : i32
    %scan3A_56 = arith.constant 1 : i32
    scf.for %scan3A_162 = %scan3A_53 to %scan3A_55 step %scan3A_56  : i32 {
      %mul3A_163 = arith.constant 3 : i32
      %mul3A_164 = arith.muli %mul3A_163, %scan3A_162 : i32
      %dma_wait3A_165 = arith.constant 0 : i32
      %dma_wait3A_166 = arith.constant 0 : i32
      %dma_wait3A_167 = arith.constant 0 : i32
      %dma_wait3A_168 = tpu.memref_slice %arg12[%dma_wait3A_165, %dma_wait3A_166, %dma_wait3A_167] : memref<3x80x128xf32, #tpu.memory_space<vmem>> -> memref<1x80x128xf32, #tpu.memory_space<vmem>>
      %dma_wait3A_169 = tpu.memref_squeeze %dma_wait3A_168 : memref<1x80x128xf32, #tpu.memory_space<vmem>> -> memref<80x128xf32, #tpu.memory_space<vmem>>
      %dma_wait3A_170 = arith.constant 0 : i32
      %dma_wait3A_171 = tpu.memref_slice %arg10[%mul3A_164, %dma_wait3A_170] : memref<63x80xi32, #tpu.memory_space<vmem>> -> memref<1x80xi32, #tpu.memory_space<vmem>>
      %dma_wait3A_172 = tpu.memref_squeeze %dma_wait3A_171 : memref<1x80xi32, #tpu.memory_space<vmem>> -> memref<80xi32, #tpu.memory_space<vmem>>
      %dma_wait3A_173 = arith.constant 0 : i32
      %dma_wait3A_174 = arith.constant 0 : i32
      %dma_wait3A_175 = tpu.memref_slice %arg4[%dma_wait3A_173, %dma_wait3A_174] : memref<10240x128xf32, #tpu.memory_space<hbm>> -> memref<10240x128xf32, #tpu.memory_space<hbm>>
      tpu.wait_indirect_dma semaphore(%arg16 : memref<!tpu.dma_semaphore, #tpu.memory_space<semaphore_mem>>) src(%dma_wait3A_175 : memref<10240x128xf32, #tpu.memory_space<hbm>>) dst(%dma_wait3A_169 : memref<80x128xf32, #tpu.memory_space<vmem>>)
      %dma_wait3A_176 = arith.constant 0 : i32
      %dma_wait3A_177 = arith.constant 0 : i32
      %dma_wait3A_178 = tpu.memref_slice %arg13[%dma_wait3A_176, %dma_wait3A_177] : memref<3x80xf32, #tpu.memory_space<vmem>> -> memref<1x80xf32, #tpu.memory_space<vmem>>
      %dma_wait3A_179 = tpu.memref_squeeze %dma_wait3A_178 : memref<1x80xf32, #tpu.memory_space<vmem>> -> memref<80xf32, #tpu.memory_space<vmem>>
      %dma_wait3A_180 = arith.constant 0 : i32
      %dma_wait3A_181 = tpu.memref_slice %arg11[%mul3A_164, %dma_wait3A_180] : memref<63x80xi32, #tpu.memory_space<vmem>> -> memref<1x80xi32, #tpu.memory_space<vmem>>
      %dma_wait3A_182 = tpu.memref_squeeze %dma_wait3A_181 : memref<1x80xi32, #tpu.memory_space<vmem>> -> memref<80xi32, #tpu.memory_space<vmem>>
      %dma_wait3A_183 = arith.constant 0 : i32
      %dma_wait3A_184 = tpu.memref_slice %arg5[%dma_wait3A_183] : memref<10240xf32, #tpu.memory_space<hbm>> -> memref<10240xf32, #tpu.memory_space<hbm>>
      tpu.wait_indirect_dma semaphore(%arg16 : memref<!tpu.dma_semaphore, #tpu.memory_space<semaphore_mem>>) src(%dma_wait3A_184 : memref<10240xf32, #tpu.memory_space<hbm>>) dst(%dma_wait3A_179 : memref<80xf32, #tpu.memory_space<vmem>>)
      %dma_start3A_185 = arith.constant 0 : i32
      %dma_start3A_186 = arith.constant 0 : i32
      %dma_start3A_187 = arith.constant 0 : i32
      %dma_start3A_188 = tpu.memref_slice %arg12[%dma_start3A_185, %dma_start3A_186, %dma_start3A_187] : memref<3x80x128xf32, #tpu.memory_space<vmem>> -> memref<1x80x128xf32, #tpu.memory_space<vmem>>
      %dma_start3A_189 = tpu.memref_squeeze %dma_start3A_188 : memref<1x80x128xf32, #tpu.memory_space<vmem>> -> memref<80x128xf32, #tpu.memory_space<vmem>>
      %dma_start3A_190 = arith.constant 0 : i32
      %dma_start3A_191 = tpu.memref_slice %arg11[%mul3A_164, %dma_start3A_190] : memref<63x80xi32, #tpu.memory_space<vmem>> -> memref<1x80xi32, #tpu.memory_space<vmem>>
      %dma_start3A_192 = tpu.memref_squeeze %dma_start3A_191 : memref<1x80xi32, #tpu.memory_space<vmem>> -> memref<80xi32, #tpu.memory_space<vmem>>
      %dma_start3A_193 = arith.constant 0 : i32
      %dma_start3A_194 = arith.constant 0 : i32
      %dma_start3A_195 = tpu.memref_slice %arg14[%dma_start3A_193, %dma_start3A_194] : memref<10240x128xf32, #tpu.memory_space<vmem_shared>> -> memref<10240x128xf32, #tpu.memory_space<vmem_shared>>
      tpu.enqueue_indirect_dma source(%dma_start3A_189 : memref<80x128xf32, #tpu.memory_space<vmem>>) target(%dma_start3A_195 : memref<10240x128xf32, #tpu.memory_space<vmem_shared>>) offsets(%dma_start3A_192 : memref<80xi32, #tpu.memory_space<vmem>>) semaphore(%arg19 : memref<!tpu.dma_semaphore, #tpu.memory_space<semaphore_mem>>) {add = true}
      %dma_start3A_196 = arith.constant 0 : i32
      %dma_start3A_197 = arith.constant 0 : i32
      %dma_start3A_198 = tpu.memref_slice %arg13[%dma_start3A_196, %dma_start3A_197] : memref<3x80xf32, #tpu.memory_space<vmem>> -> memref<1x80xf32, #tpu.memory_space<vmem>>
      %dma_start3A_199 = tpu.memref_squeeze %dma_start3A_198 : memref<1x80xf32, #tpu.memory_space<vmem>> -> memref<80xf32, #tpu.memory_space<vmem>>
      %dma_start3A_200 = arith.constant 0 : i32
      %dma_start3A_201 = tpu.memref_slice %arg10[%mul3A_164, %dma_start3A_200] : memref<63x80xi32, #tpu.memory_space<vmem>> -> memref<1x80xi32, #tpu.memory_space<vmem>>
      %dma_start3A_202 = tpu.memref_squeeze %dma_start3A_201 : memref<1x80xi32, #tpu.memory_space<vmem>> -> memref<80xi32, #tpu.memory_space<vmem>>
      %dma_start3A_203 = arith.constant 0 : i32
      %dma_start3A_204 = tpu.memref_slice %arg15[%dma_start3A_203] : memref<10240xf32, #tpu.memory_space<vmem_shared>> -> memref<10240xf32, #tpu.memory_space<vmem_shared>>
      tpu.enqueue_indirect_dma source(%dma_start3A_199 : memref<80xf32, #tpu.memory_space<vmem>>) target(%dma_start3A_204 : memref<10240xf32, #tpu.memory_space<vmem_shared>>) offsets(%dma_start3A_202 : memref<80xi32, #tpu.memory_space<vmem>>) semaphore(%arg19 : memref<!tpu.dma_semaphore, #tpu.memory_space<semaphore_mem>>) {add = true}
      %gt3A = arith.constant 0 : i32
      %gt3A_205 = arith.cmpi sgt, %scan3A_162, %gt3A : i32
      %convert_element_type3A = arith.extui %gt3A_205 : i1 to i32
      %cond3A = arith.constant 0 : i32
      %cond3A_206 = arith.cmpi ne, %convert_element_type3A, %cond3A : i32
      scf.if %cond3A_206 {
        %sub3A = arith.constant 1 : i32
        %sub3A_368 = arith.subi %mul3A_164, %sub3A : i32
        %dma_wait3A_369 = arith.constant 2 : i32
        %dma_wait3A_370 = arith.constant 0 : i32
        %dma_wait3A_371 = arith.constant 0 : i32
        %dma_wait3A_372 = tpu.memref_slice %arg12[%dma_wait3A_369, %dma_wait3A_370, %dma_wait3A_371] : memref<3x80x128xf32, #tpu.memory_space<vmem>> -> memref<1x80x128xf32, #tpu.memory_space<vmem>>
        %dma_wait3A_373 = tpu.memref_squeeze %dma_wait3A_372 : memref<1x80x128xf32, #tpu.memory_space<vmem>> -> memref<80x128xf32, #tpu.memory_space<vmem>>
        %dma_wait3A_374 = arith.constant 0 : i32
        %dma_wait3A_375 = tpu.memref_slice %arg11[%sub3A_368, %dma_wait3A_374] : memref<63x80xi32, #tpu.memory_space<vmem>> -> memref<1x80xi32, #tpu.memory_space<vmem>>
        %dma_wait3A_376 = tpu.memref_squeeze %dma_wait3A_375 : memref<1x80xi32, #tpu.memory_space<vmem>> -> memref<80xi32, #tpu.memory_space<vmem>>
        %dma_wait3A_377 = arith.constant 0 : i32
        %dma_wait3A_378 = arith.constant 0 : i32
        %dma_wait3A_379 = tpu.memref_slice %arg14[%dma_wait3A_377, %dma_wait3A_378] : memref<10240x128xf32, #tpu.memory_space<vmem_shared>> -> memref<10240x128xf32, #tpu.memory_space<vmem_shared>>
        tpu.wait_indirect_dma semaphore(%arg21 : memref<!tpu.dma_semaphore, #tpu.memory_space<semaphore_mem>>) src(%dma_wait3A_373 : memref<80x128xf32, #tpu.memory_space<vmem>>) dst(%dma_wait3A_379 : memref<10240x128xf32, #tpu.memory_space<vmem_shared>>)
        %dma_wait3A_380 = arith.constant 2 : i32
        %dma_wait3A_381 = arith.constant 0 : i32
        %dma_wait3A_382 = tpu.memref_slice %arg13[%dma_wait3A_380, %dma_wait3A_381] : memref<3x80xf32, #tpu.memory_space<vmem>> -> memref<1x80xf32, #tpu.memory_space<vmem>>
        %dma_wait3A_383 = tpu.memref_squeeze %dma_wait3A_382 : memref<1x80xf32, #tpu.memory_space<vmem>> -> memref<80xf32, #tpu.memory_space<vmem>>
        %dma_wait3A_384 = arith.constant 0 : i32
        %dma_wait3A_385 = tpu.memref_slice %arg10[%sub3A_368, %dma_wait3A_384] : memref<63x80xi32, #tpu.memory_space<vmem>> -> memref<1x80xi32, #tpu.memory_space<vmem>>
        %dma_wait3A_386 = tpu.memref_squeeze %dma_wait3A_385 : memref<1x80xi32, #tpu.memory_space<vmem>> -> memref<80xi32, #tpu.memory_space<vmem>>
        %dma_wait3A_387 = arith.constant 0 : i32
        %dma_wait3A_388 = tpu.memref_slice %arg15[%dma_wait3A_387] : memref<10240xf32, #tpu.memory_space<vmem_shared>> -> memref<10240xf32, #tpu.memory_space<vmem_shared>>
        tpu.wait_indirect_dma semaphore(%arg21 : memref<!tpu.dma_semaphore, #tpu.memory_space<semaphore_mem>>) src(%dma_wait3A_383 : memref<80xf32, #tpu.memory_space<vmem>>) dst(%dma_wait3A_388 : memref<10240xf32, #tpu.memory_space<vmem_shared>>)
      } else {
      }
      %add3A_207 = arith.constant 2 : i32
      %add3A_208 = arith.addi %mul3A_164, %add3A_207 : i32
      %dma_start3A_209 = arith.constant 2 : i32
      %dma_start3A_210 = arith.constant 0 : i32
      %dma_start3A_211 = arith.constant 0 : i32
      %dma_start3A_212 = tpu.memref_slice %arg12[%dma_start3A_209, %dma_start3A_210, %dma_start3A_211] : memref<3x80x128xf32, #tpu.memory_space<vmem>> -> memref<1x80x128xf32, #tpu.memory_space<vmem>>
      %dma_start3A_213 = tpu.memref_squeeze %dma_start3A_212 : memref<1x80x128xf32, #tpu.memory_space<vmem>> -> memref<80x128xf32, #tpu.memory_space<vmem>>
      %dma_start3A_214 = arith.constant 0 : i32
      %dma_start3A_215 = tpu.memref_slice %arg10[%add3A_208, %dma_start3A_214] : memref<63x80xi32, #tpu.memory_space<vmem>> -> memref<1x80xi32, #tpu.memory_space<vmem>>
      %dma_start3A_216 = tpu.memref_squeeze %dma_start3A_215 : memref<1x80xi32, #tpu.memory_space<vmem>> -> memref<80xi32, #tpu.memory_space<vmem>>
      %dma_start3A_217 = arith.constant 0 : i32
      %dma_start3A_218 = arith.constant 0 : i32
      %dma_start3A_219 = tpu.memref_slice %arg4[%dma_start3A_217, %dma_start3A_218] : memref<10240x128xf32, #tpu.memory_space<hbm>> -> memref<10240x128xf32, #tpu.memory_space<hbm>>
      tpu.enqueue_indirect_dma source(%dma_start3A_219 : memref<10240x128xf32, #tpu.memory_space<hbm>>) target(%dma_start3A_213 : memref<80x128xf32, #tpu.memory_space<vmem>>) offsets(%dma_start3A_216 : memref<80xi32, #tpu.memory_space<vmem>>) semaphore(%arg18 : memref<!tpu.dma_semaphore, #tpu.memory_space<semaphore_mem>>)
      %dma_start3A_220 = arith.constant 2 : i32
      %dma_start3A_221 = arith.constant 0 : i32
      %dma_start3A_222 = tpu.memref_slice %arg13[%dma_start3A_220, %dma_start3A_221] : memref<3x80xf32, #tpu.memory_space<vmem>> -> memref<1x80xf32, #tpu.memory_space<vmem>>
      %dma_start3A_223 = tpu.memref_squeeze %dma_start3A_222 : memref<1x80xf32, #tpu.memory_space<vmem>> -> memref<80xf32, #tpu.memory_space<vmem>>
      %dma_start3A_224 = arith.constant 0 : i32
      %dma_start3A_225 = tpu.memref_slice %arg11[%add3A_208, %dma_start3A_224] : memref<63x80xi32, #tpu.memory_space<vmem>> -> memref<1x80xi32, #tpu.memory_space<vmem>>
      %dma_start3A_226 = tpu.memref_squeeze %dma_start3A_225 : memref<1x80xi32, #tpu.memory_space<vmem>> -> memref<80xi32, #tpu.memory_space<vmem>>
      %dma_start3A_227 = arith.constant 0 : i32
      %dma_start3A_228 = tpu.memref_slice %arg5[%dma_start3A_227] : memref<10240xf32, #tpu.memory_space<hbm>> -> memref<10240xf32, #tpu.memory_space<hbm>>
      tpu.enqueue_indirect_dma source(%dma_start3A_228 : memref<10240xf32, #tpu.memory_space<hbm>>) target(%dma_start3A_223 : memref<80xf32, #tpu.memory_space<vmem>>) offsets(%dma_start3A_226 : memref<80xi32, #tpu.memory_space<vmem>>) semaphore(%arg18 : memref<!tpu.dma_semaphore, #tpu.memory_space<semaphore_mem>>)
      %add3A_229 = arith.constant 1 : i32
      %add3A_230 = arith.addi %mul3A_164, %add3A_229 : i32
      %dma_wait3A_231 = arith.constant 1 : i32
      %dma_wait3A_232 = arith.constant 0 : i32
      %dma_wait3A_233 = arith.constant 0 : i32
      %dma_wait3A_234 = tpu.memref_slice %arg12[%dma_wait3A_231, %dma_wait3A_232, %dma_wait3A_233] : memref<3x80x128xf32, #tpu.memory_space<vmem>> -> memref<1x80x128xf32, #tpu.memory_space<vmem>>
      %dma_wait3A_235 = tpu.memref_squeeze %dma_wait3A_234 : memref<1x80x128xf32, #tpu.memory_space<vmem>> -> memref<80x128xf32, #tpu.memory_space<vmem>>
      %dma_wait3A_236 = arith.constant 0 : i32
      %dma_wait3A_237 = tpu.memref_slice %arg10[%add3A_230, %dma_wait3A_236] : memref<63x80xi32, #tpu.memory_space<vmem>> -> memref<1x80xi32, #tpu.memory_space<vmem>>
      %dma_wait3A_238 = tpu.memref_squeeze %dma_wait3A_237 : memref<1x80xi32, #tpu.memory_space<vmem>> -> memref<80xi32, #tpu.memory_space<vmem>>
      %dma_wait3A_239 = arith.constant 0 : i32
      %dma_wait3A_240 = arith.constant 0 : i32
      %dma_wait3A_241 = tpu.memref_slice %arg4[%dma_wait3A_239, %dma_wait3A_240] : memref<10240x128xf32, #tpu.memory_space<hbm>> -> memref<10240x128xf32, #tpu.memory_space<hbm>>
      tpu.wait_indirect_dma semaphore(%arg17 : memref<!tpu.dma_semaphore, #tpu.memory_space<semaphore_mem>>) src(%dma_wait3A_241 : memref<10240x128xf32, #tpu.memory_space<hbm>>) dst(%dma_wait3A_235 : memref<80x128xf32, #tpu.memory_space<vmem>>)
      %dma_wait3A_242 = arith.constant 1 : i32
      %dma_wait3A_243 = arith.constant 0 : i32
      %dma_wait3A_244 = tpu.memref_slice %arg13[%dma_wait3A_242, %dma_wait3A_243] : memref<3x80xf32, #tpu.memory_space<vmem>> -> memref<1x80xf32, #tpu.memory_space<vmem>>
      %dma_wait3A_245 = tpu.memref_squeeze %dma_wait3A_244 : memref<1x80xf32, #tpu.memory_space<vmem>> -> memref<80xf32, #tpu.memory_space<vmem>>
      %dma_wait3A_246 = arith.constant 0 : i32
      %dma_wait3A_247 = tpu.memref_slice %arg11[%add3A_230, %dma_wait3A_246] : memref<63x80xi32, #tpu.memory_space<vmem>> -> memref<1x80xi32, #tpu.memory_space<vmem>>
      %dma_wait3A_248 = tpu.memref_squeeze %dma_wait3A_247 : memref<1x80xi32, #tpu.memory_space<vmem>> -> memref<80xi32, #tpu.memory_space<vmem>>
      %dma_wait3A_249 = arith.constant 0 : i32
      %dma_wait3A_250 = tpu.memref_slice %arg5[%dma_wait3A_249] : memref<10240xf32, #tpu.memory_space<hbm>> -> memref<10240xf32, #tpu.memory_space<hbm>>
      tpu.wait_indirect_dma semaphore(%arg17 : memref<!tpu.dma_semaphore, #tpu.memory_space<semaphore_mem>>) src(%dma_wait3A_250 : memref<10240xf32, #tpu.memory_space<hbm>>) dst(%dma_wait3A_245 : memref<80xf32, #tpu.memory_space<vmem>>)
      %add3A_251 = arith.constant 1 : i32
      %add3A_252 = arith.addi %mul3A_164, %add3A_251 : i32
      %dma_start3A_253 = arith.constant 1 : i32
      %dma_start3A_254 = arith.constant 0 : i32
      %dma_start3A_255 = arith.constant 0 : i32
      %dma_start3A_256 = tpu.memref_slice %arg12[%dma_start3A_253, %dma_start3A_254, %dma_start3A_255] : memref<3x80x128xf32, #tpu.memory_space<vmem>> -> memref<1x80x128xf32, #tpu.memory_space<vmem>>
      %dma_start3A_257 = tpu.memref_squeeze %dma_start3A_256 : memref<1x80x128xf32, #tpu.memory_space<vmem>> -> memref<80x128xf32, #tpu.memory_space<vmem>>
      %dma_start3A_258 = arith.constant 0 : i32
      %dma_start3A_259 = tpu.memref_slice %arg11[%add3A_252, %dma_start3A_258] : memref<63x80xi32, #tpu.memory_space<vmem>> -> memref<1x80xi32, #tpu.memory_space<vmem>>
      %dma_start3A_260 = tpu.memref_squeeze %dma_start3A_259 : memref<1x80xi32, #tpu.memory_space<vmem>> -> memref<80xi32, #tpu.memory_space<vmem>>
      %dma_start3A_261 = arith.constant 0 : i32
      %dma_start3A_262 = arith.constant 0 : i32
      %dma_start3A_263 = tpu.memref_slice %arg14[%dma_start3A_261, %dma_start3A_262] : memref<10240x128xf32, #tpu.memory_space<vmem_shared>> -> memref<10240x128xf32, #tpu.memory_space<vmem_shared>>
      tpu.enqueue_indirect_dma source(%dma_start3A_257 : memref<80x128xf32, #tpu.memory_space<vmem>>) target(%dma_start3A_263 : memref<10240x128xf32, #tpu.memory_space<vmem_shared>>) offsets(%dma_start3A_260 : memref<80xi32, #tpu.memory_space<vmem>>) semaphore(%arg20 : memref<!tpu.dma_semaphore, #tpu.memory_space<semaphore_mem>>) {add = true}
      %dma_start3A_264 = arith.constant 1 : i32
      %dma_start3A_265 = arith.constant 0 : i32
      %dma_start3A_266 = tpu.memref_slice %arg13[%dma_start3A_264, %dma_start3A_265] : memref<3x80xf32, #tpu.memory_space<vmem>> -> memref<1x80xf32, #tpu.memory_space<vmem>>
      %dma_start3A_267 = tpu.memref_squeeze %dma_start3A_266 : memref<1x80xf32, #tpu.memory_space<vmem>> -> memref<80xf32, #tpu.memory_space<vmem>>
      %dma_start3A_268 = arith.constant 0 : i32
      %dma_start3A_269 = tpu.memref_slice %arg10[%add3A_252, %dma_start3A_268] : memref<63x80xi32, #tpu.memory_space<vmem>> -> memref<1x80xi32, #tpu.memory_space<vmem>>
      %dma_start3A_270 = tpu.memref_squeeze %dma_start3A_269 : memref<1x80xi32, #tpu.memory_space<vmem>> -> memref<80xi32, #tpu.memory_space<vmem>>
      %dma_start3A_271 = arith.constant 0 : i32
      %dma_start3A_272 = tpu.memref_slice %arg15[%dma_start3A_271] : memref<10240xf32, #tpu.memory_space<vmem_shared>> -> memref<10240xf32, #tpu.memory_space<vmem_shared>>
      tpu.enqueue_indirect_dma source(%dma_start3A_267 : memref<80xf32, #tpu.memory_space<vmem>>) target(%dma_start3A_272 : memref<10240xf32, #tpu.memory_space<vmem_shared>>) offsets(%dma_start3A_270 : memref<80xi32, #tpu.memory_space<vmem>>) semaphore(%arg20 : memref<!tpu.dma_semaphore, #tpu.memory_space<semaphore_mem>>) {add = true}
      %dma_wait3A_273 = arith.constant 0 : i32
      %dma_wait3A_274 = arith.constant 0 : i32
      %dma_wait3A_275 = arith.constant 0 : i32
      %dma_wait3A_276 = tpu.memref_slice %arg12[%dma_wait3A_273, %dma_wait3A_274, %dma_wait3A_275] : memref<3x80x128xf32, #tpu.memory_space<vmem>> -> memref<1x80x128xf32, #tpu.memory_space<vmem>>
      %dma_wait3A_277 = tpu.memref_squeeze %dma_wait3A_276 : memref<1x80x128xf32, #tpu.memory_space<vmem>> -> memref<80x128xf32, #tpu.memory_space<vmem>>
      %dma_wait3A_278 = arith.constant 0 : i32
      %dma_wait3A_279 = tpu.memref_slice %arg11[%mul3A_164, %dma_wait3A_278] : memref<63x80xi32, #tpu.memory_space<vmem>> -> memref<1x80xi32, #tpu.memory_space<vmem>>
      %dma_wait3A_280 = tpu.memref_squeeze %dma_wait3A_279 : memref<1x80xi32, #tpu.memory_space<vmem>> -> memref<80xi32, #tpu.memory_space<vmem>>
      %dma_wait3A_281 = arith.constant 0 : i32
      %dma_wait3A_282 = arith.constant 0 : i32
      %dma_wait3A_283 = tpu.memref_slice %arg14[%dma_wait3A_281, %dma_wait3A_282] : memref<10240x128xf32, #tpu.memory_space<vmem_shared>> -> memref<10240x128xf32, #tpu.memory_space<vmem_shared>>
      tpu.wait_indirect_dma semaphore(%arg19 : memref<!tpu.dma_semaphore, #tpu.memory_space<semaphore_mem>>) src(%dma_wait3A_277 : memref<80x128xf32, #tpu.memory_space<vmem>>) dst(%dma_wait3A_283 : memref<10240x128xf32, #tpu.memory_space<vmem_shared>>)
      %dma_wait3A_284 = arith.constant 0 : i32
      %dma_wait3A_285 = arith.constant 0 : i32
      %dma_wait3A_286 = tpu.memref_slice %arg13[%dma_wait3A_284, %dma_wait3A_285] : memref<3x80xf32, #tpu.memory_space<vmem>> -> memref<1x80xf32, #tpu.memory_space<vmem>>
      %dma_wait3A_287 = tpu.memref_squeeze %dma_wait3A_286 : memref<1x80xf32, #tpu.memory_space<vmem>> -> memref<80xf32, #tpu.memory_space<vmem>>
      %dma_wait3A_288 = arith.constant 0 : i32
      %dma_wait3A_289 = tpu.memref_slice %arg10[%mul3A_164, %dma_wait3A_288] : memref<63x80xi32, #tpu.memory_space<vmem>> -> memref<1x80xi32, #tpu.memory_space<vmem>>
      %dma_wait3A_290 = tpu.memref_squeeze %dma_wait3A_289 : memref<1x80xi32, #tpu.memory_space<vmem>> -> memref<80xi32, #tpu.memory_space<vmem>>
      %dma_wait3A_291 = arith.constant 0 : i32
      %dma_wait3A_292 = tpu.memref_slice %arg15[%dma_wait3A_291] : memref<10240xf32, #tpu.memory_space<vmem_shared>> -> memref<10240xf32, #tpu.memory_space<vmem_shared>>
      tpu.wait_indirect_dma semaphore(%arg19 : memref<!tpu.dma_semaphore, #tpu.memory_space<semaphore_mem>>) src(%dma_wait3A_287 : memref<80xf32, #tpu.memory_space<vmem>>) dst(%dma_wait3A_292 : memref<10240xf32, #tpu.memory_space<vmem_shared>>)
      %lt3A = arith.constant 20 : i32
      %lt3A_293 = arith.cmpi slt, %scan3A_162, %lt3A : i32
      %convert_element_type3A_294 = arith.extui %lt3A_293 : i1 to i32
      %cond3A_295 = arith.constant 0 : i32
      %cond3A_296 = arith.cmpi ne, %convert_element_type3A_294, %cond3A_295 : i32
      scf.if %cond3A_296 {
        %add3A_368 = arith.constant 3 : i32
        %add3A_369 = arith.addi %mul3A_164, %add3A_368 : i32
        %dma_start3A_370 = arith.constant 0 : i32
        %dma_start3A_371 = arith.constant 0 : i32
        %dma_start3A_372 = arith.constant 0 : i32
        %dma_start3A_373 = tpu.memref_slice %arg12[%dma_start3A_370, %dma_start3A_371, %dma_start3A_372] : memref<3x80x128xf32, #tpu.memory_space<vmem>> -> memref<1x80x128xf32, #tpu.memory_space<vmem>>
        %dma_start3A_374 = tpu.memref_squeeze %dma_start3A_373 : memref<1x80x128xf32, #tpu.memory_space<vmem>> -> memref<80x128xf32, #tpu.memory_space<vmem>>
        %dma_start3A_375 = arith.constant 0 : i32
        %dma_start3A_376 = tpu.memref_slice %arg10[%add3A_369, %dma_start3A_375] : memref<63x80xi32, #tpu.memory_space<vmem>> -> memref<1x80xi32, #tpu.memory_space<vmem>>
        %dma_start3A_377 = tpu.memref_squeeze %dma_start3A_376 : memref<1x80xi32, #tpu.memory_space<vmem>> -> memref<80xi32, #tpu.memory_space<vmem>>
        %dma_start3A_378 = arith.constant 0 : i32
        %dma_start3A_379 = arith.constant 0 : i32
        %dma_start3A_380 = tpu.memref_slice %arg4[%dma_start3A_378, %dma_start3A_379] : memref<10240x128xf32, #tpu.memory_space<hbm>> -> memref<10240x128xf32, #tpu.memory_space<hbm>>
        tpu.enqueue_indirect_dma source(%dma_start3A_380 : memref<10240x128xf32, #tpu.memory_space<hbm>>) target(%dma_start3A_374 : memref<80x128xf32, #tpu.memory_space<vmem>>) offsets(%dma_start3A_377 : memref<80xi32, #tpu.memory_space<vmem>>) semaphore(%arg16 : memref<!tpu.dma_semaphore, #tpu.memory_space<semaphore_mem>>)
        %dma_start3A_381 = arith.constant 0 : i32
        %dma_start3A_382 = arith.constant 0 : i32
        %dma_start3A_383 = tpu.memref_slice %arg13[%dma_start3A_381, %dma_start3A_382] : memref<3x80xf32, #tpu.memory_space<vmem>> -> memref<1x80xf32, #tpu.memory_space<vmem>>
        %dma_start3A_384 = tpu.memref_squeeze %dma_start3A_383 : memref<1x80xf32, #tpu.memory_space<vmem>> -> memref<80xf32, #tpu.memory_space<vmem>>
        %dma_start3A_385 = arith.constant 0 : i32
        %dma_start3A_386 = tpu.memref_slice %arg11[%add3A_369, %dma_start3A_385] : memref<63x80xi32, #tpu.memory_space<vmem>> -> memref<1x80xi32, #tpu.memory_space<vmem>>
        %dma_start3A_387 = tpu.memref_squeeze %dma_start3A_386 : memref<1x80xi32, #tpu.memory_space<vmem>> -> memref<80xi32, #tpu.memory_space<vmem>>
        %dma_start3A_388 = arith.constant 0 : i32
        %dma_start3A_389 = tpu.memref_slice %arg5[%dma_start3A_388] : memref<10240xf32, #tpu.memory_space<hbm>> -> memref<10240xf32, #tpu.memory_space<hbm>>
        tpu.enqueue_indirect_dma source(%dma_start3A_389 : memref<10240xf32, #tpu.memory_space<hbm>>) target(%dma_start3A_384 : memref<80xf32, #tpu.memory_space<vmem>>) offsets(%dma_start3A_387 : memref<80xi32, #tpu.memory_space<vmem>>) semaphore(%arg16 : memref<!tpu.dma_semaphore, #tpu.memory_space<semaphore_mem>>)
      } else {
      }
      %add3A_297 = arith.constant 2 : i32
      %add3A_298 = arith.addi %mul3A_164, %add3A_297 : i32
      %dma_wait3A_299 = arith.constant 2 : i32
      %dma_wait3A_300 = arith.constant 0 : i32
      %dma_wait3A_301 = arith.constant 0 : i32
      %dma_wait3A_302 = tpu.memref_slice %arg12[%dma_wait3A_299, %dma_wait3A_300, %dma_wait3A_301] : memref<3x80x128xf32, #tpu.memory_space<vmem>> -> memref<1x80x128xf32, #tpu.memory_space<vmem>>
      %dma_wait3A_303 = tpu.memref_squeeze %dma_wait3A_302 : memref<1x80x128xf32, #tpu.memory_space<vmem>> -> memref<80x128xf32, #tpu.memory_space<vmem>>
      %dma_wait3A_304 = arith.constant 0 : i32
      %dma_wait3A_305 = tpu.memref_slice %arg10[%add3A_298, %dma_wait3A_304] : memref<63x80xi32, #tpu.memory_space<vmem>> -> memref<1x80xi32, #tpu.memory_space<vmem>>
      %dma_wait3A_306 = tpu.memref_squeeze %dma_wait3A_305 : memref<1x80xi32, #tpu.memory_space<vmem>> -> memref<80xi32, #tpu.memory_space<vmem>>
      %dma_wait3A_307 = arith.constant 0 : i32
      %dma_wait3A_308 = arith.constant 0 : i32
      %dma_wait3A_309 = tpu.memref_slice %arg4[%dma_wait3A_307, %dma_wait3A_308] : memref<10240x128xf32, #tpu.memory_space<hbm>> -> memref<10240x128xf32, #tpu.memory_space<hbm>>
      tpu.wait_indirect_dma semaphore(%arg18 : memref<!tpu.dma_semaphore, #tpu.memory_space<semaphore_mem>>) src(%dma_wait3A_309 : memref<10240x128xf32, #tpu.memory_space<hbm>>) dst(%dma_wait3A_303 : memref<80x128xf32, #tpu.memory_space<vmem>>)
      %dma_wait3A_310 = arith.constant 2 : i32
      %dma_wait3A_311 = arith.constant 0 : i32
      %dma_wait3A_312 = tpu.memref_slice %arg13[%dma_wait3A_310, %dma_wait3A_311] : memref<3x80xf32, #tpu.memory_space<vmem>> -> memref<1x80xf32, #tpu.memory_space<vmem>>
      %dma_wait3A_313 = tpu.memref_squeeze %dma_wait3A_312 : memref<1x80xf32, #tpu.memory_space<vmem>> -> memref<80xf32, #tpu.memory_space<vmem>>
      %dma_wait3A_314 = arith.constant 0 : i32
      %dma_wait3A_315 = tpu.memref_slice %arg11[%add3A_298, %dma_wait3A_314] : memref<63x80xi32, #tpu.memory_space<vmem>> -> memref<1x80xi32, #tpu.memory_space<vmem>>
      %dma_wait3A_316 = tpu.memref_squeeze %dma_wait3A_315 : memref<1x80xi32, #tpu.memory_space<vmem>> -> memref<80xi32, #tpu.memory_space<vmem>>
      %dma_wait3A_317 = arith.constant 0 : i32
      %dma_wait3A_318 = tpu.memref_slice %arg5[%dma_wait3A_317] : memref<10240xf32, #tpu.memory_space<hbm>> -> memref<10240xf32, #tpu.memory_space<hbm>>
      tpu.wait_indirect_dma semaphore(%arg18 : memref<!tpu.dma_semaphore, #tpu.memory_space<semaphore_mem>>) src(%dma_wait3A_318 : memref<10240xf32, #tpu.memory_space<hbm>>) dst(%dma_wait3A_313 : memref<80xf32, #tpu.memory_space<vmem>>)
      %add3A_319 = arith.constant 2 : i32
      %add3A_320 = arith.addi %mul3A_164, %add3A_319 : i32
      %dma_start3A_321 = arith.constant 2 : i32
      %dma_start3A_322 = arith.constant 0 : i32
      %dma_start3A_323 = arith.constant 0 : i32
      %dma_start3A_324 = tpu.memref_slice %arg12[%dma_start3A_321, %dma_start3A_322, %dma_start3A_323] : memref<3x80x128xf32, #tpu.memory_space<vmem>> -> memref<1x80x128xf32, #tpu.memory_space<vmem>>
      %dma_start3A_325 = tpu.memref_squeeze %dma_start3A_324 : memref<1x80x128xf32, #tpu.memory_space<vmem>> -> memref<80x128xf32, #tpu.memory_space<vmem>>
      %dma_start3A_326 = arith.constant 0 : i32
      %dma_start3A_327 = tpu.memref_slice %arg11[%add3A_320, %dma_start3A_326] : memref<63x80xi32, #tpu.memory_space<vmem>> -> memref<1x80xi32, #tpu.memory_space<vmem>>
      %dma_start3A_328 = tpu.memref_squeeze %dma_start3A_327 : memref<1x80xi32, #tpu.memory_space<vmem>> -> memref<80xi32, #tpu.memory_space<vmem>>
      %dma_start3A_329 = arith.constant 0 : i32
      %dma_start3A_330 = arith.constant 0 : i32
      %dma_start3A_331 = tpu.memref_slice %arg14[%dma_start3A_329, %dma_start3A_330] : memref<10240x128xf32, #tpu.memory_space<vmem_shared>> -> memref<10240x128xf32, #tpu.memory_space<vmem_shared>>
      tpu.enqueue_indirect_dma source(%dma_start3A_325 : memref<80x128xf32, #tpu.memory_space<vmem>>) target(%dma_start3A_331 : memref<10240x128xf32, #tpu.memory_space<vmem_shared>>) offsets(%dma_start3A_328 : memref<80xi32, #tpu.memory_space<vmem>>) semaphore(%arg21 : memref<!tpu.dma_semaphore, #tpu.memory_space<semaphore_mem>>) {add = true}
      %dma_start3A_332 = arith.constant 2 : i32
      %dma_start3A_333 = arith.constant 0 : i32
      %dma_start3A_334 = tpu.memref_slice %arg13[%dma_start3A_332, %dma_start3A_333] : memref<3x80xf32, #tpu.memory_space<vmem>> -> memref<1x80xf32, #tpu.memory_space<vmem>>
      %dma_start3A_335 = tpu.memref_squeeze %dma_start3A_334 : memref<1x80xf32, #tpu.memory_space<vmem>> -> memref<80xf32, #tpu.memory_space<vmem>>
      %dma_start3A_336 = arith.constant 0 : i32
      %dma_start3A_337 = tpu.memref_slice %arg10[%add3A_320, %dma_start3A_336] : memref<63x80xi32, #tpu.memory_space<vmem>> -> memref<1x80xi32, #tpu.memory_space<vmem>>
      %dma_start3A_338 = tpu.memref_squeeze %dma_start3A_337 : memref<1x80xi32, #tpu.memory_space<vmem>> -> memref<80xi32, #tpu.memory_space<vmem>>
      %dma_start3A_339 = arith.constant 0 : i32
      %dma_start3A_340 = tpu.memref_slice %arg15[%dma_start3A_339] : memref<10240xf32, #tpu.memory_space<vmem_shared>> -> memref<10240xf32, #tpu.memory_space<vmem_shared>>
      tpu.enqueue_indirect_dma source(%dma_start3A_335 : memref<80xf32, #tpu.memory_space<vmem>>) target(%dma_start3A_340 : memref<10240xf32, #tpu.memory_space<vmem_shared>>) offsets(%dma_start3A_338 : memref<80xi32, #tpu.memory_space<vmem>>) semaphore(%arg21 : memref<!tpu.dma_semaphore, #tpu.memory_space<semaphore_mem>>) {add = true}
      %add3A_341 = arith.constant 1 : i32
      %add3A_342 = arith.addi %mul3A_164, %add3A_341 : i32
      %dma_wait3A_343 = arith.constant 1 : i32
      %dma_wait3A_344 = arith.constant 0 : i32
      %dma_wait3A_345 = arith.constant 0 : i32
      %dma_wait3A_346 = tpu.memref_slice %arg12[%dma_wait3A_343, %dma_wait3A_344, %dma_wait3A_345] : memref<3x80x128xf32, #tpu.memory_space<vmem>> -> memref<1x80x128xf32, #tpu.memory_space<vmem>>
      %dma_wait3A_347 = tpu.memref_squeeze %dma_wait3A_346 : memref<1x80x128xf32, #tpu.memory_space<vmem>> -> memref<80x128xf32, #tpu.memory_space<vmem>>
      %dma_wait3A_348 = arith.constant 0 : i32
      %dma_wait3A_349 = tpu.memref_slice %arg11[%add3A_342, %dma_wait3A_348] : memref<63x80xi32, #tpu.memory_space<vmem>> -> memref<1x80xi32, #tpu.memory_space<vmem>>
      %dma_wait3A_350 = tpu.memref_squeeze %dma_wait3A_349 : memref<1x80xi32, #tpu.memory_space<vmem>> -> memref<80xi32, #tpu.memory_space<vmem>>
      %dma_wait3A_351 = arith.constant 0 : i32
      %dma_wait3A_352 = arith.constant 0 : i32
      %dma_wait3A_353 = tpu.memref_slice %arg14[%dma_wait3A_351, %dma_wait3A_352] : memref<10240x128xf32, #tpu.memory_space<vmem_shared>> -> memref<10240x128xf32, #tpu.memory_space<vmem_shared>>
      tpu.wait_indirect_dma semaphore(%arg20 : memref<!tpu.dma_semaphore, #tpu.memory_space<semaphore_mem>>) src(%dma_wait3A_347 : memref<80x128xf32, #tpu.memory_space<vmem>>) dst(%dma_wait3A_353 : memref<10240x128xf32, #tpu.memory_space<vmem_shared>>)
      %dma_wait3A_354 = arith.constant 1 : i32
      %dma_wait3A_355 = arith.constant 0 : i32
      %dma_wait3A_356 = tpu.memref_slice %arg13[%dma_wait3A_354, %dma_wait3A_355] : memref<3x80xf32, #tpu.memory_space<vmem>> -> memref<1x80xf32, #tpu.memory_space<vmem>>
      %dma_wait3A_357 = tpu.memref_squeeze %dma_wait3A_356 : memref<1x80xf32, #tpu.memory_space<vmem>> -> memref<80xf32, #tpu.memory_space<vmem>>
      %dma_wait3A_358 = arith.constant 0 : i32
      %dma_wait3A_359 = tpu.memref_slice %arg10[%add3A_342, %dma_wait3A_358] : memref<63x80xi32, #tpu.memory_space<vmem>> -> memref<1x80xi32, #tpu.memory_space<vmem>>
      %dma_wait3A_360 = tpu.memref_squeeze %dma_wait3A_359 : memref<1x80xi32, #tpu.memory_space<vmem>> -> memref<80xi32, #tpu.memory_space<vmem>>
      %dma_wait3A_361 = arith.constant 0 : i32
      %dma_wait3A_362 = tpu.memref_slice %arg15[%dma_wait3A_361] : memref<10240xf32, #tpu.memory_space<vmem_shared>> -> memref<10240xf32, #tpu.memory_space<vmem_shared>>
      tpu.wait_indirect_dma semaphore(%arg20 : memref<!tpu.dma_semaphore, #tpu.memory_space<semaphore_mem>>) src(%dma_wait3A_357 : memref<80xf32, #tpu.memory_space<vmem>>) dst(%dma_wait3A_362 : memref<10240xf32, #tpu.memory_space<vmem_shared>>)
      %lt3A_363 = arith.constant 20 : i32
      %lt3A_364 = arith.cmpi slt, %scan3A_162, %lt3A_363 : i32
      %convert_element_type3A_365 = arith.extui %lt3A_364 : i1 to i32
      %cond3A_366 = arith.constant 0 : i32
      %cond3A_367 = arith.cmpi ne, %convert_element_type3A_365, %cond3A_366 : i32
      scf.if %cond3A_367 {
        %add3A_368 = arith.constant 4 : i32
        %add3A_369 = arith.addi %mul3A_164, %add3A_368 : i32
        %dma_start3A_370 = arith.constant 1 : i32
        %dma_start3A_371 = arith.constant 0 : i32
        %dma_start3A_372 = arith.constant 0 : i32
        %dma_start3A_373 = tpu.memref_slice %arg12[%dma_start3A_370, %dma_start3A_371, %dma_start3A_372] : memref<3x80x128xf32, #tpu.memory_space<vmem>> -> memref<1x80x128xf32, #tpu.memory_space<vmem>>
        %dma_start3A_374 = tpu.memref_squeeze %dma_start3A_373 : memref<1x80x128xf32, #tpu.memory_space<vmem>> -> memref<80x128xf32, #tpu.memory_space<vmem>>
        %dma_start3A_375 = arith.constant 0 : i32
        %dma_start3A_376 = tpu.memref_slice %arg10[%add3A_369, %dma_start3A_375] : memref<63x80xi32, #tpu.memory_space<vmem>> -> memref<1x80xi32, #tpu.memory_space<vmem>>
        %dma_start3A_377 = tpu.memref_squeeze %dma_start3A_376 : memref<1x80xi32, #tpu.memory_space<vmem>> -> memref<80xi32, #tpu.memory_space<vmem>>
        %dma_start3A_378 = arith.constant 0 : i32
        %dma_start3A_379 = arith.constant 0 : i32
        %dma_start3A_380 = tpu.memref_slice %arg4[%dma_start3A_378, %dma_start3A_379] : memref<10240x128xf32, #tpu.memory_space<hbm>> -> memref<10240x128xf32, #tpu.memory_space<hbm>>
        tpu.enqueue_indirect_dma source(%dma_start3A_380 : memref<10240x128xf32, #tpu.memory_space<hbm>>) target(%dma_start3A_374 : memref<80x128xf32, #tpu.memory_space<vmem>>) offsets(%dma_start3A_377 : memref<80xi32, #tpu.memory_space<vmem>>) semaphore(%arg17 : memref<!tpu.dma_semaphore, #tpu.memory_space<semaphore_mem>>)
        %dma_start3A_381 = arith.constant 1 : i32
        %dma_start3A_382 = arith.constant 0 : i32
        %dma_start3A_383 = tpu.memref_slice %arg13[%dma_start3A_381, %dma_start3A_382] : memref<3x80xf32, #tpu.memory_space<vmem>> -> memref<1x80xf32, #tpu.memory_space<vmem>>
        %dma_start3A_384 = tpu.memref_squeeze %dma_start3A_383 : memref<1x80xf32, #tpu.memory_space<vmem>> -> memref<80xf32, #tpu.memory_space<vmem>>
        %dma_start3A_385 = arith.constant 0 : i32
        %dma_start3A_386 = tpu.memref_slice %arg11[%add3A_369, %dma_start3A_385] : memref<63x80xi32, #tpu.memory_space<vmem>> -> memref<1x80xi32, #tpu.memory_space<vmem>>
        %dma_start3A_387 = tpu.memref_squeeze %dma_start3A_386 : memref<1x80xi32, #tpu.memory_space<vmem>> -> memref<80xi32, #tpu.memory_space<vmem>>
        %dma_start3A_388 = arith.constant 0 : i32
        %dma_start3A_389 = tpu.memref_slice %arg5[%dma_start3A_388] : memref<10240xf32, #tpu.memory_space<hbm>> -> memref<10240xf32, #tpu.memory_space<hbm>>
        tpu.enqueue_indirect_dma source(%dma_start3A_389 : memref<10240xf32, #tpu.memory_space<hbm>>) target(%dma_start3A_384 : memref<80xf32, #tpu.memory_space<vmem>>) offsets(%dma_start3A_387 : memref<80xi32, #tpu.memory_space<vmem>>) semaphore(%arg17 : memref<!tpu.dma_semaphore, #tpu.memory_space<semaphore_mem>>)
      } else {
      }
    }
    %scan3A_57 = arith.constant 21 : i32
    %dma_wait3A = arith.constant 2 : i32
    %dma_wait3A_58 = arith.constant 62 : i32
    %dma_wait3A_59 = arith.constant 0 : i32
    %dma_wait3A_60 = arith.constant 0 : i32
    %dma_wait3A_61 = tpu.memref_slice %arg12[%dma_wait3A, %dma_wait3A_59, %dma_wait3A_60] : memref<3x80x128xf32, #tpu.memory_space<vmem>> -> memref<1x80x128xf32, #tpu.memory_space<vmem>>
    %dma_wait3A_62 = tpu.memref_squeeze %dma_wait3A_61 : memref<1x80x128xf32, #tpu.memory_space<vmem>> -> memref<80x128xf32, #tpu.memory_space<vmem>>
    %dma_wait3A_63 = arith.constant 0 : i32
    %dma_wait3A_64 = tpu.memref_slice %arg11[%dma_wait3A_58, %dma_wait3A_63] : memref<63x80xi32, #tpu.memory_space<vmem>> -> memref<1x80xi32, #tpu.memory_space<vmem>>
    %dma_wait3A_65 = tpu.memref_squeeze %dma_wait3A_64 : memref<1x80xi32, #tpu.memory_space<vmem>> -> memref<80xi32, #tpu.memory_space<vmem>>
    %dma_wait3A_66 = arith.constant 0 : i32
    %dma_wait3A_67 = arith.constant 0 : i32
    %dma_wait3A_68 = tpu.memref_slice %arg14[%dma_wait3A_66, %dma_wait3A_67] : memref<10240x128xf32, #tpu.memory_space<vmem_shared>> -> memref<10240x128xf32, #tpu.memory_space<vmem_shared>>
    tpu.wait_indirect_dma semaphore(%arg21 : memref<!tpu.dma_semaphore, #tpu.memory_space<semaphore_mem>>) src(%dma_wait3A_62 : memref<80x128xf32, #tpu.memory_space<vmem>>) dst(%dma_wait3A_68 : memref<10240x128xf32, #tpu.memory_space<vmem_shared>>)
    %dma_wait3A_69 = arith.constant 2 : i32
    %dma_wait3A_70 = arith.constant 62 : i32
    %dma_wait3A_71 = arith.constant 0 : i32
    %dma_wait3A_72 = tpu.memref_slice %arg13[%dma_wait3A_69, %dma_wait3A_71] : memref<3x80xf32, #tpu.memory_space<vmem>> -> memref<1x80xf32, #tpu.memory_space<vmem>>
    %dma_wait3A_73 = tpu.memref_squeeze %dma_wait3A_72 : memref<1x80xf32, #tpu.memory_space<vmem>> -> memref<80xf32, #tpu.memory_space<vmem>>
    %dma_wait3A_74 = arith.constant 0 : i32
    %dma_wait3A_75 = tpu.memref_slice %arg10[%dma_wait3A_70, %dma_wait3A_74] : memref<63x80xi32, #tpu.memory_space<vmem>> -> memref<1x80xi32, #tpu.memory_space<vmem>>
    %dma_wait3A_76 = tpu.memref_squeeze %dma_wait3A_75 : memref<1x80xi32, #tpu.memory_space<vmem>> -> memref<80xi32, #tpu.memory_space<vmem>>
    %dma_wait3A_77 = arith.constant 0 : i32
    %dma_wait3A_78 = tpu.memref_slice %arg15[%dma_wait3A_77] : memref<10240xf32, #tpu.memory_space<vmem_shared>> -> memref<10240xf32, #tpu.memory_space<vmem_shared>>
    tpu.wait_indirect_dma semaphore(%arg21 : memref<!tpu.dma_semaphore, #tpu.memory_space<semaphore_mem>>) src(%dma_wait3A_73 : memref<80xf32, #tpu.memory_space<vmem>>) dst(%dma_wait3A_78 : memref<10240xf32, #tpu.memory_space<vmem_shared>>)
    %run_scoped3A_79 = arith.constant 1 : i32
    "tpu.region"() ({
      %run_scoped3A_162 = tpu.sem_alloc : memref<!tpu.dma_semaphore, #tpu.memory_space<semaphore_mem>>
      %dma_start3A_163 = arith.constant 0 : i32
      %dma_start3A_164 = arith.constant 0 : i32
      %dma_start3A_165 = tpu.memref_slice %arg2[%add3A, %run_scoped3A_79, %dma_start3A_163, %dma_start3A_164] : memref<32x2x63x80xi32, #tpu.memory_space<hbm>> -> memref<1x1x63x80xi32, #tpu.memory_space<hbm>>
      %dma_start3A_166 = tpu.memref_squeeze %dma_start3A_165 : memref<1x1x63x80xi32, #tpu.memory_space<hbm>> -> memref<63x80xi32, #tpu.memory_space<hbm>>
      %dma_start3A_167 = arith.constant 0 : i32
      %dma_start3A_168 = arith.constant 0 : i32
      %dma_start3A_169 = tpu.memref_slice %arg2[%add3A, %run_scoped3A_79, %dma_start3A_167, %dma_start3A_168] : memref<32x2x63x80xi32, #tpu.memory_space<hbm>> -> memref<1x1x63x80xi32, #tpu.memory_space<hbm>>
      %dma_start3A_170 = tpu.memref_squeeze %dma_start3A_169 : memref<1x1x63x80xi32, #tpu.memory_space<hbm>> -> memref<63x80xi32, #tpu.memory_space<hbm>>
      tpu.enqueue_dma source(%dma_start3A_170 : memref<63x80xi32, #tpu.memory_space<hbm>>) target(%arg10 : memref<63x80xi32, #tpu.memory_space<vmem>>) target_semaphore(%run_scoped3A_162 : memref<!tpu.dma_semaphore, #tpu.memory_space<semaphore_mem>>)
      %dma_wait3A_171 = arith.constant 0 : i32
      %dma_wait3A_172 = arith.constant 0 : i32
      %dma_wait3A_173 = tpu.memref_slice %arg2[%add3A, %run_scoped3A_79, %dma_wait3A_171, %dma_wait3A_172] : memref<32x2x63x80xi32, #tpu.memory_space<hbm>> -> memref<1x1x63x80xi32, #tpu.memory_space<hbm>>
      %dma_wait3A_174 = tpu.memref_squeeze %dma_wait3A_173 : memref<1x1x63x80xi32, #tpu.memory_space<hbm>> -> memref<63x80xi32, #tpu.memory_space<hbm>>
      %dma_wait3A_175 = arith.constant 0 : i32
      %dma_wait3A_176 = arith.constant 0 : i32
      %dma_wait3A_177 = tpu.memref_slice %arg2[%add3A, %run_scoped3A_79, %dma_wait3A_175, %dma_wait3A_176] : memref<32x2x63x80xi32, #tpu.memory_space<hbm>> -> memref<1x1x63x80xi32, #tpu.memory_space<hbm>>
      %dma_wait3A_178 = tpu.memref_squeeze %dma_wait3A_177 : memref<1x1x63x80xi32, #tpu.memory_space<hbm>> -> memref<63x80xi32, #tpu.memory_space<hbm>>
      tpu.wait_dma2 semaphore(%run_scoped3A_162 : memref<!tpu.dma_semaphore, #tpu.memory_space<semaphore_mem>>) src(%dma_wait3A_178 : memref<63x80xi32, #tpu.memory_space<hbm>>) dst(%arg10 : memref<63x80xi32, #tpu.memory_space<vmem>>)
      tpu.yield
    }) : () -> ()
    %run_scoped3A_80 = arith.constant 1 : i32
    "tpu.region"() ({
      %run_scoped3A_162 = tpu.sem_alloc : memref<!tpu.dma_semaphore, #tpu.memory_space<semaphore_mem>>
      %dma_start3A_163 = arith.constant 0 : i32
      %dma_start3A_164 = arith.constant 0 : i32
      %dma_start3A_165 = tpu.memref_slice %arg3[%add3A, %run_scoped3A_80, %dma_start3A_163, %dma_start3A_164] : memref<32x2x63x80xi32, #tpu.memory_space<hbm>> -> memref<1x1x63x80xi32, #tpu.memory_space<hbm>>
      %dma_start3A_166 = tpu.memref_squeeze %dma_start3A_165 : memref<1x1x63x80xi32, #tpu.memory_space<hbm>> -> memref<63x80xi32, #tpu.memory_space<hbm>>
      %dma_start3A_167 = arith.constant 0 : i32
      %dma_start3A_168 = arith.constant 0 : i32
      %dma_start3A_169 = tpu.memref_slice %arg3[%add3A, %run_scoped3A_80, %dma_start3A_167, %dma_start3A_168] : memref<32x2x63x80xi32, #tpu.memory_space<hbm>> -> memref<1x1x63x80xi32, #tpu.memory_space<hbm>>
      %dma_start3A_170 = tpu.memref_squeeze %dma_start3A_169 : memref<1x1x63x80xi32, #tpu.memory_space<hbm>> -> memref<63x80xi32, #tpu.memory_space<hbm>>
      tpu.enqueue_dma source(%dma_start3A_170 : memref<63x80xi32, #tpu.memory_space<hbm>>) target(%arg11 : memref<63x80xi32, #tpu.memory_space<vmem>>) target_semaphore(%run_scoped3A_162 : memref<!tpu.dma_semaphore, #tpu.memory_space<semaphore_mem>>)
      %dma_wait3A_171 = arith.constant 0 : i32
      %dma_wait3A_172 = arith.constant 0 : i32
      %dma_wait3A_173 = tpu.memref_slice %arg3[%add3A, %run_scoped3A_80, %dma_wait3A_171, %dma_wait3A_172] : memref<32x2x63x80xi32, #tpu.memory_space<hbm>> -> memref<1x1x63x80xi32, #tpu.memory_space<hbm>>
      %dma_wait3A_174 = tpu.memref_squeeze %dma_wait3A_173 : memref<1x1x63x80xi32, #tpu.memory_space<hbm>> -> memref<63x80xi32, #tpu.memory_space<hbm>>
      %dma_wait3A_175 = arith.constant 0 : i32
      %dma_wait3A_176 = arith.constant 0 : i32
      %dma_wait3A_177 = tpu.memref_slice %arg3[%add3A, %run_scoped3A_80, %dma_wait3A_175, %dma_wait3A_176] : memref<32x2x63x80xi32, #tpu.memory_space<hbm>> -> memref<1x1x63x80xi32, #tpu.memory_space<hbm>>
      %dma_wait3A_178 = tpu.memref_squeeze %dma_wait3A_177 : memref<1x1x63x80xi32, #tpu.memory_space<hbm>> -> memref<63x80xi32, #tpu.memory_space<hbm>>
      tpu.wait_dma2 semaphore(%run_scoped3A_162 : memref<!tpu.dma_semaphore, #tpu.memory_space<semaphore_mem>>) src(%dma_wait3A_178 : memref<63x80xi32, #tpu.memory_space<hbm>>) dst(%arg11 : memref<63x80xi32, #tpu.memory_space<vmem>>)
      tpu.yield
    }) : () -> ()
    %dma_start3A_81 = arith.constant 0 : i32
    %dma_start3A_82 = arith.constant 0 : i32
    %dma_start3A_83 = arith.constant 0 : i32
    %dma_start3A_84 = arith.constant 0 : i32
    %dma_start3A_85 = tpu.memref_slice %arg12[%dma_start3A_82, %dma_start3A_83, %dma_start3A_84] : memref<3x80x128xf32, #tpu.memory_space<vmem>> -> memref<1x80x128xf32, #tpu.memory_space<vmem>>
    %dma_start3A_86 = tpu.memref_squeeze %dma_start3A_85 : memref<1x80x128xf32, #tpu.memory_space<vmem>> -> memref<80x128xf32, #tpu.memory_space<vmem>>
    %dma_start3A_87 = arith.constant 0 : i32
    %dma_start3A_88 = tpu.memref_slice %arg10[%dma_start3A_81, %dma_start3A_87] : memref<63x80xi32, #tpu.memory_space<vmem>> -> memref<1x80xi32, #tpu.memory_space<vmem>>
    %dma_start3A_89 = tpu.memref_squeeze %dma_start3A_88 : memref<1x80xi32, #tpu.memory_space<vmem>> -> memref<80xi32, #tpu.memory_space<vmem>>
    %dma_start3A_90 = arith.constant 0 : i32
    %dma_start3A_91 = arith.constant 0 : i32
    %dma_start3A_92 = tpu.memref_slice %arg4[%dma_start3A_90, %dma_start3A_91] : memref<10240x128xf32, #tpu.memory_space<hbm>> -> memref<10240x128xf32, #tpu.memory_space<hbm>>
    tpu.enqueue_indirect_dma source(%dma_start3A_92 : memref<10240x128xf32, #tpu.memory_space<hbm>>) target(%dma_start3A_86 : memref<80x128xf32, #tpu.memory_space<vmem>>) offsets(%dma_start3A_89 : memref<80xi32, #tpu.memory_space<vmem>>) semaphore(%arg16 : memref<!tpu.dma_semaphore, #tpu.memory_space<semaphore_mem>>)
    %dma_start3A_93 = arith.constant 0 : i32
    %dma_start3A_94 = arith.constant 0 : i32
    %dma_start3A_95 = arith.constant 0 : i32
    %dma_start3A_96 = tpu.memref_slice %arg13[%dma_start3A_94, %dma_start3A_95] : memref<3x80xf32, #tpu.memory_space<vmem>> -> memref<1x80xf32, #tpu.memory_space<vmem>>
    %dma_start3A_97 = tpu.memref_squeeze %dma_start3A_96 : memref<1x80xf32, #tpu.memory_space<vmem>> -> memref<80xf32, #tpu.memory_space<vmem>>
    %dma_start3A_98 = arith.constant 0 : i32
    %dma_start3A_99 = tpu.memref_slice %arg11[%dma_start3A_93, %dma_start3A_98] : memref<63x80xi32, #tpu.memory_space<vmem>> -> memref<1x80xi32, #tpu.memory_space<vmem>>
    %dma_start3A_100 = tpu.memref_squeeze %dma_start3A_99 : memref<1x80xi32, #tpu.memory_space<vmem>> -> memref<80xi32, #tpu.memory_space<vmem>>
    %dma_start3A_101 = arith.constant 0 : i32
    %dma_start3A_102 = tpu.memref_slice %arg5[%dma_start3A_101] : memref<10240xf32, #tpu.memory_space<hbm>> -> memref<10240xf32, #tpu.memory_space<hbm>>
    tpu.enqueue_indirect_dma source(%dma_start3A_102 : memref<10240xf32, #tpu.memory_space<hbm>>) target(%dma_start3A_97 : memref<80xf32, #tpu.memory_space<vmem>>) offsets(%dma_start3A_100 : memref<80xi32, #tpu.memory_space<vmem>>) semaphore(%arg16 : memref<!tpu.dma_semaphore, #tpu.memory_space<semaphore_mem>>)
    %dma_start3A_103 = arith.constant 1 : i32
    %dma_start3A_104 = arith.constant 1 : i32
    %dma_start3A_105 = arith.constant 0 : i32
    %dma_start3A_106 = arith.constant 0 : i32
    %dma_start3A_107 = tpu.memref_slice %arg12[%dma_start3A_104, %dma_start3A_105, %dma_start3A_106] : memref<3x80x128xf32, #tpu.memory_space<vmem>> -> memref<1x80x128xf32, #tpu.memory_space<vmem>>
    %dma_start3A_108 = tpu.memref_squeeze %dma_start3A_107 : memref<1x80x128xf32, #tpu.memory_space<vmem>> -> memref<80x128xf32, #tpu.memory_space<vmem>>
    %dma_start3A_109 = arith.constant 0 : i32
    %dma_start3A_110 = tpu.memref_slice %arg10[%dma_start3A_103, %dma_start3A_109] : memref<63x80xi32, #tpu.memory_space<vmem>> -> memref<1x80xi32, #tpu.memory_space<vmem>>
    %dma_start3A_111 = tpu.memref_squeeze %dma_start3A_110 : memref<1x80xi32, #tpu.memory_space<vmem>> -> memref<80xi32, #tpu.memory_space<vmem>>
    %dma_start3A_112 = arith.constant 0 : i32
    %dma_start3A_113 = arith.constant 0 : i32
    %dma_start3A_114 = tpu.memref_slice %arg4[%dma_start3A_112, %dma_start3A_113] : memref<10240x128xf32, #tpu.memory_space<hbm>> -> memref<10240x128xf32, #tpu.memory_space<hbm>>
    tpu.enqueue_indirect_dma source(%dma_start3A_114 : memref<10240x128xf32, #tpu.memory_space<hbm>>) target(%dma_start3A_108 : memref<80x128xf32, #tpu.memory_space<vmem>>) offsets(%dma_start3A_111 : memref<80xi32, #tpu.memory_space<vmem>>) semaphore(%arg17 : memref<!tpu.dma_semaphore, #tpu.memory_space<semaphore_mem>>)
    %dma_start3A_115 = arith.constant 1 : i32
    %dma_start3A_116 = arith.constant 1 : i32
    %dma_start3A_117 = arith.constant 0 : i32
    %dma_start3A_118 = tpu.memref_slice %arg13[%dma_start3A_116, %dma_start3A_117] : memref<3x80xf32, #tpu.memory_space<vmem>> -> memref<1x80xf32, #tpu.memory_space<vmem>>
    %dma_start3A_119 = tpu.memref_squeeze %dma_start3A_118 : memref<1x80xf32, #tpu.memory_space<vmem>> -> memref<80xf32, #tpu.memory_space<vmem>>
    %dma_start3A_120 = arith.constant 0 : i32
    %dma_start3A_121 = tpu.memref_slice %arg11[%dma_start3A_115, %dma_start3A_120] : memref<63x80xi32, #tpu.memory_space<vmem>> -> memref<1x80xi32, #tpu.memory_space<vmem>>
    %dma_start3A_122 = tpu.memref_squeeze %dma_start3A_121 : memref<1x80xi32, #tpu.memory_space<vmem>> -> memref<80xi32, #tpu.memory_space<vmem>>
    %dma_start3A_123 = arith.constant 0 : i32
    %dma_start3A_124 = tpu.memref_slice %arg5[%dma_start3A_123] : memref<10240xf32, #tpu.memory_space<hbm>> -> memref<10240xf32, #tpu.memory_space<hbm>>
    tpu.enqueue_indirect_dma source(%dma_start3A_124 : memref<10240xf32, #tpu.memory_space<hbm>>) target(%dma_start3A_119 : memref<80xf32, #tpu.memory_space<vmem>>) offsets(%dma_start3A_122 : memref<80xi32, #tpu.memory_space<vmem>>) semaphore(%arg17 : memref<!tpu.dma_semaphore, #tpu.memory_space<semaphore_mem>>)
    %scan3A_125 = arith.constant 0 : i32
    %scan3A_126 = arith.constant 0 : i32
    %scan3A_127 = arith.constant 21 : i32
    %scan3A_128 = arith.addi %scan3A_126, %scan3A_127 : i32
    %scan3A_129 = arith.constant 1 : i32
    scf.for %scan3A_162 = %scan3A_126 to %scan3A_128 step %scan3A_129  : i32 {
      %mul3A_163 = arith.constant 3 : i32
      %mul3A_164 = arith.muli %mul3A_163, %scan3A_162 : i32
      %dma_wait3A_165 = arith.constant 0 : i32
      %dma_wait3A_166 = arith.constant 0 : i32
      %dma_wait3A_167 = arith.constant 0 : i32
      %dma_wait3A_168 = tpu.memref_slice %arg12[%dma_wait3A_165, %dma_wait3A_166, %dma_wait3A_167] : memref<3x80x128xf32, #tpu.memory_space<vmem>> -> memref<1x80x128xf32, #tpu.memory_space<vmem>>
      %dma_wait3A_169 = tpu.memref_squeeze %dma_wait3A_168 : memref<1x80x128xf32, #tpu.memory_space<vmem>> -> memref<80x128xf32, #tpu.memory_space<vmem>>
      %dma_wait3A_170 = arith.constant 0 : i32
      %dma_wait3A_171 = tpu.memref_slice %arg10[%mul3A_164, %dma_wait3A_170] : memref<63x80xi32, #tpu.memory_space<vmem>> -> memref<1x80xi32, #tpu.memory_space<vmem>>
      %dma_wait3A_172 = tpu.memref_squeeze %dma_wait3A_171 : memref<1x80xi32, #tpu.memory_space<vmem>> -> memref<80xi32, #tpu.memory_space<vmem>>
      %dma_wait3A_173 = arith.constant 0 : i32
      %dma_wait3A_174 = arith.constant 0 : i32
      %dma_wait3A_175 = tpu.memref_slice %arg4[%dma_wait3A_173, %dma_wait3A_174] : memref<10240x128xf32, #tpu.memory_space<hbm>> -> memref<10240x128xf32, #tpu.memory_space<hbm>>
      tpu.wait_indirect_dma semaphore(%arg16 : memref<!tpu.dma_semaphore, #tpu.memory_space<semaphore_mem>>) src(%dma_wait3A_175 : memref<10240x128xf32, #tpu.memory_space<hbm>>) dst(%dma_wait3A_169 : memref<80x128xf32, #tpu.memory_space<vmem>>)
      %dma_wait3A_176 = arith.constant 0 : i32
      %dma_wait3A_177 = arith.constant 0 : i32
      %dma_wait3A_178 = tpu.memref_slice %arg13[%dma_wait3A_176, %dma_wait3A_177] : memref<3x80xf32, #tpu.memory_space<vmem>> -> memref<1x80xf32, #tpu.memory_space<vmem>>
      %dma_wait3A_179 = tpu.memref_squeeze %dma_wait3A_178 : memref<1x80xf32, #tpu.memory_space<vmem>> -> memref<80xf32, #tpu.memory_space<vmem>>
      %dma_wait3A_180 = arith.constant 0 : i32
      %dma_wait3A_181 = tpu.memref_slice %arg11[%mul3A_164, %dma_wait3A_180] : memref<63x80xi32, #tpu.memory_space<vmem>> -> memref<1x80xi32, #tpu.memory_space<vmem>>
      %dma_wait3A_182 = tpu.memref_squeeze %dma_wait3A_181 : memref<1x80xi32, #tpu.memory_space<vmem>> -> memref<80xi32, #tpu.memory_space<vmem>>
      %dma_wait3A_183 = arith.constant 0 : i32
      %dma_wait3A_184 = tpu.memref_slice %arg5[%dma_wait3A_183] : memref<10240xf32, #tpu.memory_space<hbm>> -> memref<10240xf32, #tpu.memory_space<hbm>>
      tpu.wait_indirect_dma semaphore(%arg16 : memref<!tpu.dma_semaphore, #tpu.memory_space<semaphore_mem>>) src(%dma_wait3A_184 : memref<10240xf32, #tpu.memory_space<hbm>>) dst(%dma_wait3A_179 : memref<80xf32, #tpu.memory_space<vmem>>)
      %dma_start3A_185 = arith.constant 0 : i32
      %dma_start3A_186 = arith.constant 0 : i32
      %dma_start3A_187 = arith.constant 0 : i32
      %dma_start3A_188 = tpu.memref_slice %arg12[%dma_start3A_185, %dma_start3A_186, %dma_start3A_187] : memref<3x80x128xf32, #tpu.memory_space<vmem>> -> memref<1x80x128xf32, #tpu.memory_space<vmem>>
      %dma_start3A_189 = tpu.memref_squeeze %dma_start3A_188 : memref<1x80x128xf32, #tpu.memory_space<vmem>> -> memref<80x128xf32, #tpu.memory_space<vmem>>
      %dma_start3A_190 = arith.constant 0 : i32
      %dma_start3A_191 = tpu.memref_slice %arg11[%mul3A_164, %dma_start3A_190] : memref<63x80xi32, #tpu.memory_space<vmem>> -> memref<1x80xi32, #tpu.memory_space<vmem>>
      %dma_start3A_192 = tpu.memref_squeeze %dma_start3A_191 : memref<1x80xi32, #tpu.memory_space<vmem>> -> memref<80xi32, #tpu.memory_space<vmem>>
      %dma_start3A_193 = arith.constant 0 : i32
      %dma_start3A_194 = arith.constant 0 : i32
      %dma_start3A_195 = tpu.memref_slice %arg14[%dma_start3A_193, %dma_start3A_194] : memref<10240x128xf32, #tpu.memory_space<vmem_shared>> -> memref<10240x128xf32, #tpu.memory_space<vmem_shared>>
      tpu.enqueue_indirect_dma source(%dma_start3A_189 : memref<80x128xf32, #tpu.memory_space<vmem>>) target(%dma_start3A_195 : memref<10240x128xf32, #tpu.memory_space<vmem_shared>>) offsets(%dma_start3A_192 : memref<80xi32, #tpu.memory_space<vmem>>) semaphore(%arg19 : memref<!tpu.dma_semaphore, #tpu.memory_space<semaphore_mem>>) {add = true}
      %dma_start3A_196 = arith.constant 0 : i32
      %dma_start3A_197 = arith.constant 0 : i32
      %dma_start3A_198 = tpu.memref_slice %arg13[%dma_start3A_196, %dma_start3A_197] : memref<3x80xf32, #tpu.memory_space<vmem>> -> memref<1x80xf32, #tpu.memory_space<vmem>>
      %dma_start3A_199 = tpu.memref_squeeze %dma_start3A_198 : memref<1x80xf32, #tpu.memory_space<vmem>> -> memref<80xf32, #tpu.memory_space<vmem>>
      %dma_start3A_200 = arith.constant 0 : i32
      %dma_start3A_201 = tpu.memref_slice %arg10[%mul3A_164, %dma_start3A_200] : memref<63x80xi32, #tpu.memory_space<vmem>> -> memref<1x80xi32, #tpu.memory_space<vmem>>
      %dma_start3A_202 = tpu.memref_squeeze %dma_start3A_201 : memref<1x80xi32, #tpu.memory_space<vmem>> -> memref<80xi32, #tpu.memory_space<vmem>>
      %dma_start3A_203 = arith.constant 0 : i32
      %dma_start3A_204 = tpu.memref_slice %arg15[%dma_start3A_203] : memref<10240xf32, #tpu.memory_space<vmem_shared>> -> memref<10240xf32, #tpu.memory_space<vmem_shared>>
      tpu.enqueue_indirect_dma source(%dma_start3A_199 : memref<80xf32, #tpu.memory_space<vmem>>) target(%dma_start3A_204 : memref<10240xf32, #tpu.memory_space<vmem_shared>>) offsets(%dma_start3A_202 : memref<80xi32, #tpu.memory_space<vmem>>) semaphore(%arg19 : memref<!tpu.dma_semaphore, #tpu.memory_space<semaphore_mem>>) {add = true}
      %gt3A = arith.constant 0 : i32
      %gt3A_205 = arith.cmpi sgt, %scan3A_162, %gt3A : i32
      %convert_element_type3A = arith.extui %gt3A_205 : i1 to i32
      %cond3A = arith.constant 0 : i32
      %cond3A_206 = arith.cmpi ne, %convert_element_type3A, %cond3A : i32
      scf.if %cond3A_206 {
        %sub3A = arith.constant 1 : i32
        %sub3A_368 = arith.subi %mul3A_164, %sub3A : i32
        %dma_wait3A_369 = arith.constant 2 : i32
        %dma_wait3A_370 = arith.constant 0 : i32
        %dma_wait3A_371 = arith.constant 0 : i32
        %dma_wait3A_372 = tpu.memref_slice %arg12[%dma_wait3A_369, %dma_wait3A_370, %dma_wait3A_371] : memref<3x80x128xf32, #tpu.memory_space<vmem>> -> memref<1x80x128xf32, #tpu.memory_space<vmem>>
        %dma_wait3A_373 = tpu.memref_squeeze %dma_wait3A_372 : memref<1x80x128xf32, #tpu.memory_space<vmem>> -> memref<80x128xf32, #tpu.memory_space<vmem>>
        %dma_wait3A_374 = arith.constant 0 : i32
        %dma_wait3A_375 = tpu.memref_slice %arg11[%sub3A_368, %dma_wait3A_374] : memref<63x80xi32, #tpu.memory_space<vmem>> -> memref<1x80xi32, #tpu.memory_space<vmem>>
        %dma_wait3A_376 = tpu.memref_squeeze %dma_wait3A_375 : memref<1x80xi32, #tpu.memory_space<vmem>> -> memref<80xi32, #tpu.memory_space<vmem>>
        %dma_wait3A_377 = arith.constant 0 : i32
        %dma_wait3A_378 = arith.constant 0 : i32
        %dma_wait3A_379 = tpu.memref_slice %arg14[%dma_wait3A_377, %dma_wait3A_378] : memref<10240x128xf32, #tpu.memory_space<vmem_shared>> -> memref<10240x128xf32, #tpu.memory_space<vmem_shared>>
        tpu.wait_indirect_dma semaphore(%arg21 : memref<!tpu.dma_semaphore, #tpu.memory_space<semaphore_mem>>) src(%dma_wait3A_373 : memref<80x128xf32, #tpu.memory_space<vmem>>) dst(%dma_wait3A_379 : memref<10240x128xf32, #tpu.memory_space<vmem_shared>>)
        %dma_wait3A_380 = arith.constant 2 : i32
        %dma_wait3A_381 = arith.constant 0 : i32
        %dma_wait3A_382 = tpu.memref_slice %arg13[%dma_wait3A_380, %dma_wait3A_381] : memref<3x80xf32, #tpu.memory_space<vmem>> -> memref<1x80xf32, #tpu.memory_space<vmem>>
        %dma_wait3A_383 = tpu.memref_squeeze %dma_wait3A_382 : memref<1x80xf32, #tpu.memory_space<vmem>> -> memref<80xf32, #tpu.memory_space<vmem>>
        %dma_wait3A_384 = arith.constant 0 : i32
        %dma_wait3A_385 = tpu.memref_slice %arg10[%sub3A_368, %dma_wait3A_384] : memref<63x80xi32, #tpu.memory_space<vmem>> -> memref<1x80xi32, #tpu.memory_space<vmem>>
        %dma_wait3A_386 = tpu.memref_squeeze %dma_wait3A_385 : memref<1x80xi32, #tpu.memory_space<vmem>> -> memref<80xi32, #tpu.memory_space<vmem>>
        %dma_wait3A_387 = arith.constant 0 : i32
        %dma_wait3A_388 = tpu.memref_slice %arg15[%dma_wait3A_387] : memref<10240xf32, #tpu.memory_space<vmem_shared>> -> memref<10240xf32, #tpu.memory_space<vmem_shared>>
        tpu.wait_indirect_dma semaphore(%arg21 : memref<!tpu.dma_semaphore, #tpu.memory_space<semaphore_mem>>) src(%dma_wait3A_383 : memref<80xf32, #tpu.memory_space<vmem>>) dst(%dma_wait3A_388 : memref<10240xf32, #tpu.memory_space<vmem_shared>>)
      } else {
      }
      %add3A_207 = arith.constant 2 : i32
      %add3A_208 = arith.addi %mul3A_164, %add3A_207 : i32
      %dma_start3A_209 = arith.constant 2 : i32
      %dma_start3A_210 = arith.constant 0 : i32
      %dma_start3A_211 = arith.constant 0 : i32
      %dma_start3A_212 = tpu.memref_slice %arg12[%dma_start3A_209, %dma_start3A_210, %dma_start3A_211] : memref<3x80x128xf32, #tpu.memory_space<vmem>> -> memref<1x80x128xf32, #tpu.memory_space<vmem>>
      %dma_start3A_213 = tpu.memref_squeeze %dma_start3A_212 : memref<1x80x128xf32, #tpu.memory_space<vmem>> -> memref<80x128xf32, #tpu.memory_space<vmem>>
      %dma_start3A_214 = arith.constant 0 : i32
      %dma_start3A_215 = tpu.memref_slice %arg10[%add3A_208, %dma_start3A_214] : memref<63x80xi32, #tpu.memory_space<vmem>> -> memref<1x80xi32, #tpu.memory_space<vmem>>
      %dma_start3A_216 = tpu.memref_squeeze %dma_start3A_215 : memref<1x80xi32, #tpu.memory_space<vmem>> -> memref<80xi32, #tpu.memory_space<vmem>>
      %dma_start3A_217 = arith.constant 0 : i32
      %dma_start3A_218 = arith.constant 0 : i32
      %dma_start3A_219 = tpu.memref_slice %arg4[%dma_start3A_217, %dma_start3A_218] : memref<10240x128xf32, #tpu.memory_space<hbm>> -> memref<10240x128xf32, #tpu.memory_space<hbm>>
      tpu.enqueue_indirect_dma source(%dma_start3A_219 : memref<10240x128xf32, #tpu.memory_space<hbm>>) target(%dma_start3A_213 : memref<80x128xf32, #tpu.memory_space<vmem>>) offsets(%dma_start3A_216 : memref<80xi32, #tpu.memory_space<vmem>>) semaphore(%arg18 : memref<!tpu.dma_semaphore, #tpu.memory_space<semaphore_mem>>)
      %dma_start3A_220 = arith.constant 2 : i32
      %dma_start3A_221 = arith.constant 0 : i32
      %dma_start3A_222 = tpu.memref_slice %arg13[%dma_start3A_220, %dma_start3A_221] : memref<3x80xf32, #tpu.memory_space<vmem>> -> memref<1x80xf32, #tpu.memory_space<vmem>>
      %dma_start3A_223 = tpu.memref_squeeze %dma_start3A_222 : memref<1x80xf32, #tpu.memory_space<vmem>> -> memref<80xf32, #tpu.memory_space<vmem>>
      %dma_start3A_224 = arith.constant 0 : i32
      %dma_start3A_225 = tpu.memref_slice %arg11[%add3A_208, %dma_start3A_224] : memref<63x80xi32, #tpu.memory_space<vmem>> -> memref<1x80xi32, #tpu.memory_space<vmem>>
      %dma_start3A_226 = tpu.memref_squeeze %dma_start3A_225 : memref<1x80xi32, #tpu.memory_space<vmem>> -> memref<80xi32, #tpu.memory_space<vmem>>
      %dma_start3A_227 = arith.constant 0 : i32
      %dma_start3A_228 = tpu.memref_slice %arg5[%dma_start3A_227] : memref<10240xf32, #tpu.memory_space<hbm>> -> memref<10240xf32, #tpu.memory_space<hbm>>
      tpu.enqueue_indirect_dma source(%dma_start3A_228 : memref<10240xf32, #tpu.memory_space<hbm>>) target(%dma_start3A_223 : memref<80xf32, #tpu.memory_space<vmem>>) offsets(%dma_start3A_226 : memref<80xi32, #tpu.memory_space<vmem>>) semaphore(%arg18 : memref<!tpu.dma_semaphore, #tpu.memory_space<semaphore_mem>>)
      %add3A_229 = arith.constant 1 : i32
      %add3A_230 = arith.addi %mul3A_164, %add3A_229 : i32
      %dma_wait3A_231 = arith.constant 1 : i32
      %dma_wait3A_232 = arith.constant 0 : i32
      %dma_wait3A_233 = arith.constant 0 : i32
      %dma_wait3A_234 = tpu.memref_slice %arg12[%dma_wait3A_231, %dma_wait3A_232, %dma_wait3A_233] : memref<3x80x128xf32, #tpu.memory_space<vmem>> -> memref<1x80x128xf32, #tpu.memory_space<vmem>>
      %dma_wait3A_235 = tpu.memref_squeeze %dma_wait3A_234 : memref<1x80x128xf32, #tpu.memory_space<vmem>> -> memref<80x128xf32, #tpu.memory_space<vmem>>
      %dma_wait3A_236 = arith.constant 0 : i32
      %dma_wait3A_237 = tpu.memref_slice %arg10[%add3A_230, %dma_wait3A_236] : memref<63x80xi32, #tpu.memory_space<vmem>> -> memref<1x80xi32, #tpu.memory_space<vmem>>
      %dma_wait3A_238 = tpu.memref_squeeze %dma_wait3A_237 : memref<1x80xi32, #tpu.memory_space<vmem>> -> memref<80xi32, #tpu.memory_space<vmem>>
      %dma_wait3A_239 = arith.constant 0 : i32
      %dma_wait3A_240 = arith.constant 0 : i32
      %dma_wait3A_241 = tpu.memref_slice %arg4[%dma_wait3A_239, %dma_wait3A_240] : memref<10240x128xf32, #tpu.memory_space<hbm>> -> memref<10240x128xf32, #tpu.memory_space<hbm>>
      tpu.wait_indirect_dma semaphore(%arg17 : memref<!tpu.dma_semaphore, #tpu.memory_space<semaphore_mem>>) src(%dma_wait3A_241 : memref<10240x128xf32, #tpu.memory_space<hbm>>) dst(%dma_wait3A_235 : memref<80x128xf32, #tpu.memory_space<vmem>>)
      %dma_wait3A_242 = arith.constant 1 : i32
      %dma_wait3A_243 = arith.constant 0 : i32
      %dma_wait3A_244 = tpu.memref_slice %arg13[%dma_wait3A_242, %dma_wait3A_243] : memref<3x80xf32, #tpu.memory_space<vmem>> -> memref<1x80xf32, #tpu.memory_space<vmem>>
      %dma_wait3A_245 = tpu.memref_squeeze %dma_wait3A_244 : memref<1x80xf32, #tpu.memory_space<vmem>> -> memref<80xf32, #tpu.memory_space<vmem>>
      %dma_wait3A_246 = arith.constant 0 : i32
      %dma_wait3A_247 = tpu.memref_slice %arg11[%add3A_230, %dma_wait3A_246] : memref<63x80xi32, #tpu.memory_space<vmem>> -> memref<1x80xi32, #tpu.memory_space<vmem>>
      %dma_wait3A_248 = tpu.memref_squeeze %dma_wait3A_247 : memref<1x80xi32, #tpu.memory_space<vmem>> -> memref<80xi32, #tpu.memory_space<vmem>>
      %dma_wait3A_249 = arith.constant 0 : i32
      %dma_wait3A_250 = tpu.memref_slice %arg5[%dma_wait3A_249] : memref<10240xf32, #tpu.memory_space<hbm>> -> memref<10240xf32, #tpu.memory_space<hbm>>
      tpu.wait_indirect_dma semaphore(%arg17 : memref<!tpu.dma_semaphore, #tpu.memory_space<semaphore_mem>>) src(%dma_wait3A_250 : memref<10240xf32, #tpu.memory_space<hbm>>) dst(%dma_wait3A_245 : memref<80xf32, #tpu.memory_space<vmem>>)
      %add3A_251 = arith.constant 1 : i32
      %add3A_252 = arith.addi %mul3A_164, %add3A_251 : i32
      %dma_start3A_253 = arith.constant 1 : i32
      %dma_start3A_254 = arith.constant 0 : i32
      %dma_start3A_255 = arith.constant 0 : i32
      %dma_start3A_256 = tpu.memref_slice %arg12[%dma_start3A_253, %dma_start3A_254, %dma_start3A_255] : memref<3x80x128xf32, #tpu.memory_space<vmem>> -> memref<1x80x128xf32, #tpu.memory_space<vmem>>
      %dma_start3A_257 = tpu.memref_squeeze %dma_start3A_256 : memref<1x80x128xf32, #tpu.memory_space<vmem>> -> memref<80x128xf32, #tpu.memory_space<vmem>>
      %dma_start3A_258 = arith.constant 0 : i32
      %dma_start3A_259 = tpu.memref_slice %arg11[%add3A_252, %dma_start3A_258] : memref<63x80xi32, #tpu.memory_space<vmem>> -> memref<1x80xi32, #tpu.memory_space<vmem>>
      %dma_start3A_260 = tpu.memref_squeeze %dma_start3A_259 : memref<1x80xi32, #tpu.memory_space<vmem>> -> memref<80xi32, #tpu.memory_space<vmem>>
      %dma_start3A_261 = arith.constant 0 : i32
      %dma_start3A_262 = arith.constant 0 : i32
      %dma_start3A_263 = tpu.memref_slice %arg14[%dma_start3A_261, %dma_start3A_262] : memref<10240x128xf32, #tpu.memory_space<vmem_shared>> -> memref<10240x128xf32, #tpu.memory_space<vmem_shared>>
      tpu.enqueue_indirect_dma source(%dma_start3A_257 : memref<80x128xf32, #tpu.memory_space<vmem>>) target(%dma_start3A_263 : memref<10240x128xf32, #tpu.memory_space<vmem_shared>>) offsets(%dma_start3A_260 : memref<80xi32, #tpu.memory_space<vmem>>) semaphore(%arg20 : memref<!tpu.dma_semaphore, #tpu.memory_space<semaphore_mem>>) {add = true}
      %dma_start3A_264 = arith.constant 1 : i32
      %dma_start3A_265 = arith.constant 0 : i32
      %dma_start3A_266 = tpu.memref_slice %arg13[%dma_start3A_264, %dma_start3A_265] : memref<3x80xf32, #tpu.memory_space<vmem>> -> memref<1x80xf32, #tpu.memory_space<vmem>>
      %dma_start3A_267 = tpu.memref_squeeze %dma_start3A_266 : memref<1x80xf32, #tpu.memory_space<vmem>> -> memref<80xf32, #tpu.memory_space<vmem>>
      %dma_start3A_268 = arith.constant 0 : i32
      %dma_start3A_269 = tpu.memref_slice %arg10[%add3A_252, %dma_start3A_268] : memref<63x80xi32, #tpu.memory_space<vmem>> -> memref<1x80xi32, #tpu.memory_space<vmem>>
      %dma_start3A_270 = tpu.memref_squeeze %dma_start3A_269 : memref<1x80xi32, #tpu.memory_space<vmem>> -> memref<80xi32, #tpu.memory_space<vmem>>
      %dma_start3A_271 = arith.constant 0 : i32
      %dma_start3A_272 = tpu.memref_slice %arg15[%dma_start3A_271] : memref<10240xf32, #tpu.memory_space<vmem_shared>> -> memref<10240xf32, #tpu.memory_space<vmem_shared>>
      tpu.enqueue_indirect_dma source(%dma_start3A_267 : memref<80xf32, #tpu.memory_space<vmem>>) target(%dma_start3A_272 : memref<10240xf32, #tpu.memory_space<vmem_shared>>) offsets(%dma_start3A_270 : memref<80xi32, #tpu.memory_space<vmem>>) semaphore(%arg20 : memref<!tpu.dma_semaphore, #tpu.memory_space<semaphore_mem>>) {add = true}
      %dma_wait3A_273 = arith.constant 0 : i32
      %dma_wait3A_274 = arith.constant 0 : i32
      %dma_wait3A_275 = arith.constant 0 : i32
      %dma_wait3A_276 = tpu.memref_slice %arg12[%dma_wait3A_273, %dma_wait3A_274, %dma_wait3A_275] : memref<3x80x128xf32, #tpu.memory_space<vmem>> -> memref<1x80x128xf32, #tpu.memory_space<vmem>>
      %dma_wait3A_277 = tpu.memref_squeeze %dma_wait3A_276 : memref<1x80x128xf32, #tpu.memory_space<vmem>> -> memref<80x128xf32, #tpu.memory_space<vmem>>
      %dma_wait3A_278 = arith.constant 0 : i32
      %dma_wait3A_279 = tpu.memref_slice %arg11[%mul3A_164, %dma_wait3A_278] : memref<63x80xi32, #tpu.memory_space<vmem>> -> memref<1x80xi32, #tpu.memory_space<vmem>>
      %dma_wait3A_280 = tpu.memref_squeeze %dma_wait3A_279 : memref<1x80xi32, #tpu.memory_space<vmem>> -> memref<80xi32, #tpu.memory_space<vmem>>
      %dma_wait3A_281 = arith.constant 0 : i32
      %dma_wait3A_282 = arith.constant 0 : i32
      %dma_wait3A_283 = tpu.memref_slice %arg14[%dma_wait3A_281, %dma_wait3A_282] : memref<10240x128xf32, #tpu.memory_space<vmem_shared>> -> memref<10240x128xf32, #tpu.memory_space<vmem_shared>>
      tpu.wait_indirect_dma semaphore(%arg19 : memref<!tpu.dma_semaphore, #tpu.memory_space<semaphore_mem>>) src(%dma_wait3A_277 : memref<80x128xf32, #tpu.memory_space<vmem>>) dst(%dma_wait3A_283 : memref<10240x128xf32, #tpu.memory_space<vmem_shared>>)
      %dma_wait3A_284 = arith.constant 0 : i32
      %dma_wait3A_285 = arith.constant 0 : i32
      %dma_wait3A_286 = tpu.memref_slice %arg13[%dma_wait3A_284, %dma_wait3A_285] : memref<3x80xf32, #tpu.memory_space<vmem>> -> memref<1x80xf32, #tpu.memory_space<vmem>>
      %dma_wait3A_287 = tpu.memref_squeeze %dma_wait3A_286 : memref<1x80xf32, #tpu.memory_space<vmem>> -> memref<80xf32, #tpu.memory_space<vmem>>
      %dma_wait3A_288 = arith.constant 0 : i32
      %dma_wait3A_289 = tpu.memref_slice %arg10[%mul3A_164, %dma_wait3A_288] : memref<63x80xi32, #tpu.memory_space<vmem>> -> memref<1x80xi32, #tpu.memory_space<vmem>>
      %dma_wait3A_290 = tpu.memref_squeeze %dma_wait3A_289 : memref<1x80xi32, #tpu.memory_space<vmem>> -> memref<80xi32, #tpu.memory_space<vmem>>
      %dma_wait3A_291 = arith.constant 0 : i32
      %dma_wait3A_292 = tpu.memref_slice %arg15[%dma_wait3A_291] : memref<10240xf32, #tpu.memory_space<vmem_shared>> -> memref<10240xf32, #tpu.memory_space<vmem_shared>>
      tpu.wait_indirect_dma semaphore(%arg19 : memref<!tpu.dma_semaphore, #tpu.memory_space<semaphore_mem>>) src(%dma_wait3A_287 : memref<80xf32, #tpu.memory_space<vmem>>) dst(%dma_wait3A_292 : memref<10240xf32, #tpu.memory_space<vmem_shared>>)
      %lt3A = arith.constant 20 : i32
      %lt3A_293 = arith.cmpi slt, %scan3A_162, %lt3A : i32
      %convert_element_type3A_294 = arith.extui %lt3A_293 : i1 to i32
      %cond3A_295 = arith.constant 0 : i32
      %cond3A_296 = arith.cmpi ne, %convert_element_type3A_294, %cond3A_295 : i32
      scf.if %cond3A_296 {
        %add3A_368 = arith.constant 3 : i32
        %add3A_369 = arith.addi %mul3A_164, %add3A_368 : i32
        %dma_start3A_370 = arith.constant 0 : i32
        %dma_start3A_371 = arith.constant 0 : i32
        %dma_start3A_372 = arith.constant 0 : i32
        %dma_start3A_373 = tpu.memref_slice %arg12[%dma_start3A_370, %dma_start3A_371, %dma_start3A_372] : memref<3x80x128xf32, #tpu.memory_space<vmem>> -> memref<1x80x128xf32, #tpu.memory_space<vmem>>
        %dma_start3A_374 = tpu.memref_squeeze %dma_start3A_373 : memref<1x80x128xf32, #tpu.memory_space<vmem>> -> memref<80x128xf32, #tpu.memory_space<vmem>>
        %dma_start3A_375 = arith.constant 0 : i32
        %dma_start3A_376 = tpu.memref_slice %arg10[%add3A_369, %dma_start3A_375] : memref<63x80xi32, #tpu.memory_space<vmem>> -> memref<1x80xi32, #tpu.memory_space<vmem>>
        %dma_start3A_377 = tpu.memref_squeeze %dma_start3A_376 : memref<1x80xi32, #tpu.memory_space<vmem>> -> memref<80xi32, #tpu.memory_space<vmem>>
        %dma_start3A_378 = arith.constant 0 : i32
        %dma_start3A_379 = arith.constant 0 : i32
        %dma_start3A_380 = tpu.memref_slice %arg4[%dma_start3A_378, %dma_start3A_379] : memref<10240x128xf32, #tpu.memory_space<hbm>> -> memref<10240x128xf32, #tpu.memory_space<hbm>>
        tpu.enqueue_indirect_dma source(%dma_start3A_380 : memref<10240x128xf32, #tpu.memory_space<hbm>>) target(%dma_start3A_374 : memref<80x128xf32, #tpu.memory_space<vmem>>) offsets(%dma_start3A_377 : memref<80xi32, #tpu.memory_space<vmem>>) semaphore(%arg16 : memref<!tpu.dma_semaphore, #tpu.memory_space<semaphore_mem>>)
        %dma_start3A_381 = arith.constant 0 : i32
        %dma_start3A_382 = arith.constant 0 : i32
        %dma_start3A_383 = tpu.memref_slice %arg13[%dma_start3A_381, %dma_start3A_382] : memref<3x80xf32, #tpu.memory_space<vmem>> -> memref<1x80xf32, #tpu.memory_space<vmem>>
        %dma_start3A_384 = tpu.memref_squeeze %dma_start3A_383 : memref<1x80xf32, #tpu.memory_space<vmem>> -> memref<80xf32, #tpu.memory_space<vmem>>
        %dma_start3A_385 = arith.constant 0 : i32
        %dma_start3A_386 = tpu.memref_slice %arg11[%add3A_369, %dma_start3A_385] : memref<63x80xi32, #tpu.memory_space<vmem>> -> memref<1x80xi32, #tpu.memory_space<vmem>>
        %dma_start3A_387 = tpu.memref_squeeze %dma_start3A_386 : memref<1x80xi32, #tpu.memory_space<vmem>> -> memref<80xi32, #tpu.memory_space<vmem>>
        %dma_start3A_388 = arith.constant 0 : i32
        %dma_start3A_389 = tpu.memref_slice %arg5[%dma_start3A_388] : memref<10240xf32, #tpu.memory_space<hbm>> -> memref<10240xf32, #tpu.memory_space<hbm>>
        tpu.enqueue_indirect_dma source(%dma_start3A_389 : memref<10240xf32, #tpu.memory_space<hbm>>) target(%dma_start3A_384 : memref<80xf32, #tpu.memory_space<vmem>>) offsets(%dma_start3A_387 : memref<80xi32, #tpu.memory_space<vmem>>) semaphore(%arg16 : memref<!tpu.dma_semaphore, #tpu.memory_space<semaphore_mem>>)
      } else {
      }
      %add3A_297 = arith.constant 2 : i32
      %add3A_298 = arith.addi %mul3A_164, %add3A_297 : i32
      %dma_wait3A_299 = arith.constant 2 : i32
      %dma_wait3A_300 = arith.constant 0 : i32
      %dma_wait3A_301 = arith.constant 0 : i32
      %dma_wait3A_302 = tpu.memref_slice %arg12[%dma_wait3A_299, %dma_wait3A_300, %dma_wait3A_301] : memref<3x80x128xf32, #tpu.memory_space<vmem>> -> memref<1x80x128xf32, #tpu.memory_space<vmem>>
      %dma_wait3A_303 = tpu.memref_squeeze %dma_wait3A_302 : memref<1x80x128xf32, #tpu.memory_space<vmem>> -> memref<80x128xf32, #tpu.memory_space<vmem>>
      %dma_wait3A_304 = arith.constant 0 : i32
      %dma_wait3A_305 = tpu.memref_slice %arg10[%add3A_298, %dma_wait3A_304] : memref<63x80xi32, #tpu.memory_space<vmem>> -> memref<1x80xi32, #tpu.memory_space<vmem>>
      %dma_wait3A_306 = tpu.memref_squeeze %dma_wait3A_305 : memref<1x80xi32, #tpu.memory_space<vmem>> -> memref<80xi32, #tpu.memory_space<vmem>>
      %dma_wait3A_307 = arith.constant 0 : i32
      %dma_wait3A_308 = arith.constant 0 : i32
      %dma_wait3A_309 = tpu.memref_slice %arg4[%dma_wait3A_307, %dma_wait3A_308] : memref<10240x128xf32, #tpu.memory_space<hbm>> -> memref<10240x128xf32, #tpu.memory_space<hbm>>
      tpu.wait_indirect_dma semaphore(%arg18 : memref<!tpu.dma_semaphore, #tpu.memory_space<semaphore_mem>>) src(%dma_wait3A_309 : memref<10240x128xf32, #tpu.memory_space<hbm>>) dst(%dma_wait3A_303 : memref<80x128xf32, #tpu.memory_space<vmem>>)
      %dma_wait3A_310 = arith.constant 2 : i32
      %dma_wait3A_311 = arith.constant 0 : i32
      %dma_wait3A_312 = tpu.memref_slice %arg13[%dma_wait3A_310, %dma_wait3A_311] : memref<3x80xf32, #tpu.memory_space<vmem>> -> memref<1x80xf32, #tpu.memory_space<vmem>>
      %dma_wait3A_313 = tpu.memref_squeeze %dma_wait3A_312 : memref<1x80xf32, #tpu.memory_space<vmem>> -> memref<80xf32, #tpu.memory_space<vmem>>
      %dma_wait3A_314 = arith.constant 0 : i32
      %dma_wait3A_315 = tpu.memref_slice %arg11[%add3A_298, %dma_wait3A_314] : memref<63x80xi32, #tpu.memory_space<vmem>> -> memref<1x80xi32, #tpu.memory_space<vmem>>
      %dma_wait3A_316 = tpu.memref_squeeze %dma_wait3A_315 : memref<1x80xi32, #tpu.memory_space<vmem>> -> memref<80xi32, #tpu.memory_space<vmem>>
      %dma_wait3A_317 = arith.constant 0 : i32
      %dma_wait3A_318 = tpu.memref_slice %arg5[%dma_wait3A_317] : memref<10240xf32, #tpu.memory_space<hbm>> -> memref<10240xf32, #tpu.memory_space<hbm>>
      tpu.wait_indirect_dma semaphore(%arg18 : memref<!tpu.dma_semaphore, #tpu.memory_space<semaphore_mem>>) src(%dma_wait3A_318 : memref<10240xf32, #tpu.memory_space<hbm>>) dst(%dma_wait3A_313 : memref<80xf32, #tpu.memory_space<vmem>>)
      %add3A_319 = arith.constant 2 : i32
      %add3A_320 = arith.addi %mul3A_164, %add3A_319 : i32
      %dma_start3A_321 = arith.constant 2 : i32
      %dma_start3A_322 = arith.constant 0 : i32
      %dma_start3A_323 = arith.constant 0 : i32
      %dma_start3A_324 = tpu.memref_slice %arg12[%dma_start3A_321, %dma_start3A_322, %dma_start3A_323] : memref<3x80x128xf32, #tpu.memory_space<vmem>> -> memref<1x80x128xf32, #tpu.memory_space<vmem>>
      %dma_start3A_325 = tpu.memref_squeeze %dma_start3A_324 : memref<1x80x128xf32, #tpu.memory_space<vmem>> -> memref<80x128xf32, #tpu.memory_space<vmem>>
      %dma_start3A_326 = arith.constant 0 : i32
      %dma_start3A_327 = tpu.memref_slice %arg11[%add3A_320, %dma_start3A_326] : memref<63x80xi32, #tpu.memory_space<vmem>> -> memref<1x80xi32, #tpu.memory_space<vmem>>
      %dma_start3A_328 = tpu.memref_squeeze %dma_start3A_327 : memref<1x80xi32, #tpu.memory_space<vmem>> -> memref<80xi32, #tpu.memory_space<vmem>>
      %dma_start3A_329 = arith.constant 0 : i32
      %dma_start3A_330 = arith.constant 0 : i32
      %dma_start3A_331 = tpu.memref_slice %arg14[%dma_start3A_329, %dma_start3A_330] : memref<10240x128xf32, #tpu.memory_space<vmem_shared>> -> memref<10240x128xf32, #tpu.memory_space<vmem_shared>>
      tpu.enqueue_indirect_dma source(%dma_start3A_325 : memref<80x128xf32, #tpu.memory_space<vmem>>) target(%dma_start3A_331 : memref<10240x128xf32, #tpu.memory_space<vmem_shared>>) offsets(%dma_start3A_328 : memref<80xi32, #tpu.memory_space<vmem>>) semaphore(%arg21 : memref<!tpu.dma_semaphore, #tpu.memory_space<semaphore_mem>>) {add = true}
      %dma_start3A_332 = arith.constant 2 : i32
      %dma_start3A_333 = arith.constant 0 : i32
      %dma_start3A_334 = tpu.memref_slice %arg13[%dma_start3A_332, %dma_start3A_333] : memref<3x80xf32, #tpu.memory_space<vmem>> -> memref<1x80xf32, #tpu.memory_space<vmem>>
      %dma_start3A_335 = tpu.memref_squeeze %dma_start3A_334 : memref<1x80xf32, #tpu.memory_space<vmem>> -> memref<80xf32, #tpu.memory_space<vmem>>
      %dma_start3A_336 = arith.constant 0 : i32
      %dma_start3A_337 = tpu.memref_slice %arg10[%add3A_320, %dma_start3A_336] : memref<63x80xi32, #tpu.memory_space<vmem>> -> memref<1x80xi32, #tpu.memory_space<vmem>>
      %dma_start3A_338 = tpu.memref_squeeze %dma_start3A_337 : memref<1x80xi32, #tpu.memory_space<vmem>> -> memref<80xi32, #tpu.memory_space<vmem>>
      %dma_start3A_339 = arith.constant 0 : i32
      %dma_start3A_340 = tpu.memref_slice %arg15[%dma_start3A_339] : memref<10240xf32, #tpu.memory_space<vmem_shared>> -> memref<10240xf32, #tpu.memory_space<vmem_shared>>
      tpu.enqueue_indirect_dma source(%dma_start3A_335 : memref<80xf32, #tpu.memory_space<vmem>>) target(%dma_start3A_340 : memref<10240xf32, #tpu.memory_space<vmem_shared>>) offsets(%dma_start3A_338 : memref<80xi32, #tpu.memory_space<vmem>>) semaphore(%arg21 : memref<!tpu.dma_semaphore, #tpu.memory_space<semaphore_mem>>) {add = true}
      %add3A_341 = arith.constant 1 : i32
      %add3A_342 = arith.addi %mul3A_164, %add3A_341 : i32
      %dma_wait3A_343 = arith.constant 1 : i32
      %dma_wait3A_344 = arith.constant 0 : i32
      %dma_wait3A_345 = arith.constant 0 : i32
      %dma_wait3A_346 = tpu.memref_slice %arg12[%dma_wait3A_343, %dma_wait3A_344, %dma_wait3A_345] : memref<3x80x128xf32, #tpu.memory_space<vmem>> -> memref<1x80x128xf32, #tpu.memory_space<vmem>>
      %dma_wait3A_347 = tpu.memref_squeeze %dma_wait3A_346 : memref<1x80x128xf32, #tpu.memory_space<vmem>> -> memref<80x128xf32, #tpu.memory_space<vmem>>
      %dma_wait3A_348 = arith.constant 0 : i32
      %dma_wait3A_349 = tpu.memref_slice %arg11[%add3A_342, %dma_wait3A_348] : memref<63x80xi32, #tpu.memory_space<vmem>> -> memref<1x80xi32, #tpu.memory_space<vmem>>
      %dma_wait3A_350 = tpu.memref_squeeze %dma_wait3A_349 : memref<1x80xi32, #tpu.memory_space<vmem>> -> memref<80xi32, #tpu.memory_space<vmem>>
      %dma_wait3A_351 = arith.constant 0 : i32
      %dma_wait3A_352 = arith.constant 0 : i32
      %dma_wait3A_353 = tpu.memref_slice %arg14[%dma_wait3A_351, %dma_wait3A_352] : memref<10240x128xf32, #tpu.memory_space<vmem_shared>> -> memref<10240x128xf32, #tpu.memory_space<vmem_shared>>
      tpu.wait_indirect_dma semaphore(%arg20 : memref<!tpu.dma_semaphore, #tpu.memory_space<semaphore_mem>>) src(%dma_wait3A_347 : memref<80x128xf32, #tpu.memory_space<vmem>>) dst(%dma_wait3A_353 : memref<10240x128xf32, #tpu.memory_space<vmem_shared>>)
      %dma_wait3A_354 = arith.constant 1 : i32
      %dma_wait3A_355 = arith.constant 0 : i32
      %dma_wait3A_356 = tpu.memref_slice %arg13[%dma_wait3A_354, %dma_wait3A_355] : memref<3x80xf32, #tpu.memory_space<vmem>> -> memref<1x80xf32, #tpu.memory_space<vmem>>
      %dma_wait3A_357 = tpu.memref_squeeze %dma_wait3A_356 : memref<1x80xf32, #tpu.memory_space<vmem>> -> memref<80xf32, #tpu.memory_space<vmem>>
      %dma_wait3A_358 = arith.constant 0 : i32
      %dma_wait3A_359 = tpu.memref_slice %arg10[%add3A_342, %dma_wait3A_358] : memref<63x80xi32, #tpu.memory_space<vmem>> -> memref<1x80xi32, #tpu.memory_space<vmem>>
      %dma_wait3A_360 = tpu.memref_squeeze %dma_wait3A_359 : memref<1x80xi32, #tpu.memory_space<vmem>> -> memref<80xi32, #tpu.memory_space<vmem>>
      %dma_wait3A_361 = arith.constant 0 : i32
      %dma_wait3A_362 = tpu.memref_slice %arg15[%dma_wait3A_361] : memref<10240xf32, #tpu.memory_space<vmem_shared>> -> memref<10240xf32, #tpu.memory_space<vmem_shared>>
      tpu.wait_indirect_dma semaphore(%arg20 : memref<!tpu.dma_semaphore, #tpu.memory_space<semaphore_mem>>) src(%dma_wait3A_357 : memref<80xf32, #tpu.memory_space<vmem>>) dst(%dma_wait3A_362 : memref<10240xf32, #tpu.memory_space<vmem_shared>>)
      %lt3A_363 = arith.constant 20 : i32
      %lt3A_364 = arith.cmpi slt, %scan3A_162, %lt3A_363 : i32
      %convert_element_type3A_365 = arith.extui %lt3A_364 : i1 to i32
      %cond3A_366 = arith.constant 0 : i32
      %cond3A_367 = arith.cmpi ne, %convert_element_type3A_365, %cond3A_366 : i32
      scf.if %cond3A_367 {
        %add3A_368 = arith.constant 4 : i32
        %add3A_369 = arith.addi %mul3A_164, %add3A_368 : i32
        %dma_start3A_370 = arith.constant 1 : i32
        %dma_start3A_371 = arith.constant 0 : i32
        %dma_start3A_372 = arith.constant 0 : i32
        %dma_start3A_373 = tpu.memref_slice %arg12[%dma_start3A_370, %dma_start3A_371, %dma_start3A_372] : memref<3x80x128xf32, #tpu.memory_space<vmem>> -> memref<1x80x128xf32, #tpu.memory_space<vmem>>
        %dma_start3A_374 = tpu.memref_squeeze %dma_start3A_373 : memref<1x80x128xf32, #tpu.memory_space<vmem>> -> memref<80x128xf32, #tpu.memory_space<vmem>>
        %dma_start3A_375 = arith.constant 0 : i32
        %dma_start3A_376 = tpu.memref_slice %arg10[%add3A_369, %dma_start3A_375] : memref<63x80xi32, #tpu.memory_space<vmem>> -> memref<1x80xi32, #tpu.memory_space<vmem>>
        %dma_start3A_377 = tpu.memref_squeeze %dma_start3A_376 : memref<1x80xi32, #tpu.memory_space<vmem>> -> memref<80xi32, #tpu.memory_space<vmem>>
        %dma_start3A_378 = arith.constant 0 : i32
        %dma_start3A_379 = arith.constant 0 : i32
        %dma_start3A_380 = tpu.memref_slice %arg4[%dma_start3A_378, %dma_start3A_379] : memref<10240x128xf32, #tpu.memory_space<hbm>> -> memref<10240x128xf32, #tpu.memory_space<hbm>>
        tpu.enqueue_indirect_dma source(%dma_start3A_380 : memref<10240x128xf32, #tpu.memory_space<hbm>>) target(%dma_start3A_374 : memref<80x128xf32, #tpu.memory_space<vmem>>) offsets(%dma_start3A_377 : memref<80xi32, #tpu.memory_space<vmem>>) semaphore(%arg17 : memref<!tpu.dma_semaphore, #tpu.memory_space<semaphore_mem>>)
        %dma_start3A_381 = arith.constant 1 : i32
        %dma_start3A_382 = arith.constant 0 : i32
        %dma_start3A_383 = tpu.memref_slice %arg13[%dma_start3A_381, %dma_start3A_382] : memref<3x80xf32, #tpu.memory_space<vmem>> -> memref<1x80xf32, #tpu.memory_space<vmem>>
        %dma_start3A_384 = tpu.memref_squeeze %dma_start3A_383 : memref<1x80xf32, #tpu.memory_space<vmem>> -> memref<80xf32, #tpu.memory_space<vmem>>
        %dma_start3A_385 = arith.constant 0 : i32
        %dma_start3A_386 = tpu.memref_slice %arg11[%add3A_369, %dma_start3A_385] : memref<63x80xi32, #tpu.memory_space<vmem>> -> memref<1x80xi32, #tpu.memory_space<vmem>>
        %dma_start3A_387 = tpu.memref_squeeze %dma_start3A_386 : memref<1x80xi32, #tpu.memory_space<vmem>> -> memref<80xi32, #tpu.memory_space<vmem>>
        %dma_start3A_388 = arith.constant 0 : i32
        %dma_start3A_389 = tpu.memref_slice %arg5[%dma_start3A_388] : memref<10240xf32, #tpu.memory_space<hbm>> -> memref<10240xf32, #tpu.memory_space<hbm>>
        tpu.enqueue_indirect_dma source(%dma_start3A_389 : memref<10240xf32, #tpu.memory_space<hbm>>) target(%dma_start3A_384 : memref<80xf32, #tpu.memory_space<vmem>>) offsets(%dma_start3A_387 : memref<80xi32, #tpu.memory_space<vmem>>) semaphore(%arg17 : memref<!tpu.dma_semaphore, #tpu.memory_space<semaphore_mem>>)
      } else {
      }
    }
    %scan3A_130 = arith.constant 21 : i32
    %dma_wait3A_131 = arith.constant 2 : i32
    %dma_wait3A_132 = arith.constant 62 : i32
    %dma_wait3A_133 = arith.constant 0 : i32
    %dma_wait3A_134 = arith.constant 0 : i32
    %dma_wait3A_135 = tpu.memref_slice %arg12[%dma_wait3A_131, %dma_wait3A_133, %dma_wait3A_134] : memref<3x80x128xf32, #tpu.memory_space<vmem>> -> memref<1x80x128xf32, #tpu.memory_space<vmem>>
    %dma_wait3A_136 = tpu.memref_squeeze %dma_wait3A_135 : memref<1x80x128xf32, #tpu.memory_space<vmem>> -> memref<80x128xf32, #tpu.memory_space<vmem>>
    %dma_wait3A_137 = arith.constant 0 : i32
    %dma_wait3A_138 = tpu.memref_slice %arg11[%dma_wait3A_132, %dma_wait3A_137] : memref<63x80xi32, #tpu.memory_space<vmem>> -> memref<1x80xi32, #tpu.memory_space<vmem>>
    %dma_wait3A_139 = tpu.memref_squeeze %dma_wait3A_138 : memref<1x80xi32, #tpu.memory_space<vmem>> -> memref<80xi32, #tpu.memory_space<vmem>>
    %dma_wait3A_140 = arith.constant 0 : i32
    %dma_wait3A_141 = arith.constant 0 : i32
    %dma_wait3A_142 = tpu.memref_slice %arg14[%dma_wait3A_140, %dma_wait3A_141] : memref<10240x128xf32, #tpu.memory_space<vmem_shared>> -> memref<10240x128xf32, #tpu.memory_space<vmem_shared>>
    tpu.wait_indirect_dma semaphore(%arg21 : memref<!tpu.dma_semaphore, #tpu.memory_space<semaphore_mem>>) src(%dma_wait3A_136 : memref<80x128xf32, #tpu.memory_space<vmem>>) dst(%dma_wait3A_142 : memref<10240x128xf32, #tpu.memory_space<vmem_shared>>)
    %dma_wait3A_143 = arith.constant 2 : i32
    %dma_wait3A_144 = arith.constant 62 : i32
    %dma_wait3A_145 = arith.constant 0 : i32
    %dma_wait3A_146 = tpu.memref_slice %arg13[%dma_wait3A_143, %dma_wait3A_145] : memref<3x80xf32, #tpu.memory_space<vmem>> -> memref<1x80xf32, #tpu.memory_space<vmem>>
    %dma_wait3A_147 = tpu.memref_squeeze %dma_wait3A_146 : memref<1x80xf32, #tpu.memory_space<vmem>> -> memref<80xf32, #tpu.memory_space<vmem>>
    %dma_wait3A_148 = arith.constant 0 : i32
    %dma_wait3A_149 = tpu.memref_slice %arg10[%dma_wait3A_144, %dma_wait3A_148] : memref<63x80xi32, #tpu.memory_space<vmem>> -> memref<1x80xi32, #tpu.memory_space<vmem>>
    %dma_wait3A_150 = tpu.memref_squeeze %dma_wait3A_149 : memref<1x80xi32, #tpu.memory_space<vmem>> -> memref<80xi32, #tpu.memory_space<vmem>>
    %dma_wait3A_151 = arith.constant 0 : i32
    %dma_wait3A_152 = tpu.memref_slice %arg15[%dma_wait3A_151] : memref<10240xf32, #tpu.memory_space<vmem_shared>> -> memref<10240xf32, #tpu.memory_space<vmem_shared>>
    tpu.wait_indirect_dma semaphore(%arg21 : memref<!tpu.dma_semaphore, #tpu.memory_space<semaphore_mem>>) src(%dma_wait3A_147 : memref<80xf32, #tpu.memory_space<vmem>>) dst(%dma_wait3A_152 : memref<10240xf32, #tpu.memory_space<vmem_shared>>)
    %barrier3A_153 = arith.constant 0 : index
    tpu.barrier barrier_id(%barrier3A_153)
    %mul3A_154 = arith.constant 640 : i32
    %mul3A_155 = arith.muli %arg1, %mul3A_154 : i32
    %mul3A_156 = arith.constant 640 : i32
    %mul3A_157 = arith.muli %arg1, %mul3A_156 : i32
    "tpu.region"() ({
      %run_scoped3A_162 = tpu.sem_alloc : memref<!tpu.dma_semaphore, #tpu.memory_space<semaphore_mem>>
      %dma_start3A_163 = arith.constant 0 : i32
      %dma_start3A_164 = tpu.memref_slice %arg8[%arg0, %mul3A_157, %dma_start3A_163] : memref<2x10240x128xf32, #tpu.memory_space<hbm>> -> memref<1x640x128xf32, #tpu.memory_space<hbm>>
      %dma_start3A_165 = tpu.memref_squeeze %dma_start3A_164 : memref<1x640x128xf32, #tpu.memory_space<hbm>> -> memref<640x128xf32, #tpu.memory_space<hbm>>
      %dma_start3A_166 = arith.constant 0 : i32
      %dma_start3A_167 = tpu.memref_slice %arg14[%mul3A_155, %dma_start3A_166] : memref<10240x128xf32, #tpu.memory_space<vmem_shared>> -> memref<640x128xf32, #tpu.memory_space<vmem_shared>>
      tpu.enqueue_dma source(%dma_start3A_167 : memref<640x128xf32, #tpu.memory_space<vmem_shared>>) target(%dma_start3A_165 : memref<640x128xf32, #tpu.memory_space<hbm>>) target_semaphore(%run_scoped3A_162 : memref<!tpu.dma_semaphore, #tpu.memory_space<semaphore_mem>>)
      %dma_wait3A_168 = arith.constant 0 : i32
      %dma_wait3A_169 = tpu.memref_slice %arg8[%arg0, %mul3A_157, %dma_wait3A_168] : memref<2x10240x128xf32, #tpu.memory_space<hbm>> -> memref<1x640x128xf32, #tpu.memory_space<hbm>>
      %dma_wait3A_170 = tpu.memref_squeeze %dma_wait3A_169 : memref<1x640x128xf32, #tpu.memory_space<hbm>> -> memref<640x128xf32, #tpu.memory_space<hbm>>
      %dma_wait3A_171 = arith.constant 0 : i32
      %dma_wait3A_172 = tpu.memref_slice %arg14[%mul3A_155, %dma_wait3A_171] : memref<10240x128xf32, #tpu.memory_space<vmem_shared>> -> memref<640x128xf32, #tpu.memory_space<vmem_shared>>
      tpu.wait_dma2 semaphore(%run_scoped3A_162 : memref<!tpu.dma_semaphore, #tpu.memory_space<semaphore_mem>>) src(%dma_wait3A_172 : memref<640x128xf32, #tpu.memory_space<vmem_shared>>) dst(%dma_wait3A_170 : memref<640x128xf32, #tpu.memory_space<hbm>>)
      tpu.yield
    }) : () -> ()
    %mul3A_158 = arith.constant 640 : i32
    %mul3A_159 = arith.muli %arg1, %mul3A_158 : i32
    %mul3A_160 = arith.constant 640 : i32
    %mul3A_161 = arith.muli %arg1, %mul3A_160 : i32
    "tpu.region"() ({
      %run_scoped3A_162 = tpu.sem_alloc : memref<!tpu.dma_semaphore, #tpu.memory_space<semaphore_mem>>
      %dma_start3A_163 = tpu.memref_slice %arg9[%arg0, %mul3A_161] : memref<2x10240xf32, #tpu.memory_space<hbm>> -> memref<1x640xf32, #tpu.memory_space<hbm>>
      %dma_start3A_164 = tpu.memref_squeeze %dma_start3A_163 : memref<1x640xf32, #tpu.memory_space<hbm>> -> memref<640xf32, #tpu.memory_space<hbm>>
      %dma_start3A_165 = tpu.memref_slice %arg15[%mul3A_159] : memref<10240xf32, #tpu.memory_space<vmem_shared>> -> memref<640xf32, #tpu.memory_space<vmem_shared>>
      tpu.enqueue_dma source(%dma_start3A_165 : memref<640xf32, #tpu.memory_space<vmem_shared>>) target(%dma_start3A_164 : memref<640xf32, #tpu.memory_space<hbm>>) target_semaphore(%run_scoped3A_162 : memref<!tpu.dma_semaphore, #tpu.memory_space<semaphore_mem>>)
      %dma_wait3A_166 = tpu.memref_slice %arg9[%arg0, %mul3A_161] : memref<2x10240xf32, #tpu.memory_space<hbm>> -> memref<1x640xf32, #tpu.memory_space<hbm>>
      %dma_wait3A_167 = tpu.memref_squeeze %dma_wait3A_166 : memref<1x640xf32, #tpu.memory_space<hbm>> -> memref<640xf32, #tpu.memory_space<hbm>>
      %dma_wait3A_168 = tpu.memref_slice %arg15[%mul3A_159] : memref<10240xf32, #tpu.memory_space<vmem_shared>> -> memref<640xf32, #tpu.memory_space<vmem_shared>>
      tpu.wait_dma2 semaphore(%run_scoped3A_162 : memref<!tpu.dma_semaphore, #tpu.memory_space<semaphore_mem>>) src(%dma_wait3A_168 : memref<640xf32, #tpu.memory_space<vmem_shared>>) dst(%dma_wait3A_167 : memref<640xf32, #tpu.memory_space<hbm>>)
      tpu.yield
    }) : () -> ()
    return
  }
}

module attributes {stable_mosaic.version = 14 : i64} {
  func.func @body(%arg0: i32, %arg1: memref<1024x128xf32, #tpu.memory_space<vmem>>, %arg2: memref<128x128xf32, #tpu.memory_space<vmem>>, %arg3: memref<2x1024x1xf32, #tpu.memory_space<vmem>>, %arg4: memref<1024x128xf32, #tpu.memory_space<vmem>>, %arg5: memref<1024x1xf32, #tpu.memory_space<vmem>>) attributes {dimension_semantics = [#tpu.dimension_semantics<arbitrary>], iteration_bounds = array<i64: 10>, scalar_prefetch = 0 : i64, scratch_operands = 0 : i64, tpu.core_type = #tpu.core_type<tc>, window_params = [{transform_indices = @transform_0, window_bounds = array<i64: 1024, 128>}, {pipeline_mode = #tpu.pipeline_mode<synchronous>, transform_indices = @transform_1, window_bounds = array<i64: 128, 128>}, {transform_indices = @transform_2, window_bounds = array<i64: 2, 1024, 1>}, {transform_indices = @transform_3, window_bounds = array<i64: 1024, 128>}, {transform_indices = @transform_4, window_bounds = array<i64: 1024, 1>}]} {
    %get3A = arith.constant 0 : index
    %get3A_0 = arith.constant 0 : index
    %get3A_1 = arith.constant 0 : index
    %get3A_2 = vector.load %arg3[%get3A, %get3A_0, %get3A_1] : memref<2x1024x1xf32, #tpu.memory_space<vmem>>, vector<1x1024x1xf32>
    %get3A_3 = vector.shape_cast %get3A_2 : vector<1x1024x1xf32> to vector<1024x1xf32>
    %get3A_4 = arith.constant 1 : index
    %get3A_5 = arith.constant 0 : index
    %get3A_6 = arith.constant 0 : index
    %get3A_7 = vector.load %arg3[%get3A_4, %get3A_5, %get3A_6] : memref<2x1024x1xf32, #tpu.memory_space<vmem>>, vector<1x1024x1xf32>
    %get3A_8 = vector.shape_cast %get3A_7 : vector<1x1024x1xf32> to vector<1024x1xf32>
    %add3A = arith.addf %get3A_3, %get3A_8 : vector<1024x1xf32>
    %add3A_9 = arith.constant 1.000000e+00 : f32
    %add3A_10 = vector.broadcast %add3A_9 : f32 to vector<1024x1xf32>
    %add3A_11 = arith.addf %add3A, %add3A_10 : vector<1024x1xf32>
    %rsqrt3A = math.rsqrt %add3A_11 : vector<1024x1xf32>
    %get3A_12 = arith.constant 0 : index
    %get3A_13 = arith.constant 0 : index
    %get3A_14 = vector.load %arg1[%get3A_12, %get3A_13] : memref<1024x128xf32, #tpu.memory_space<vmem>>, vector<1024x128xf32>
    %get3A_15 = arith.constant 0 : index
    %get3A_16 = arith.constant 0 : index
    %get3A_17 = vector.load %arg2[%get3A_15, %get3A_16] : memref<128x128xf32, #tpu.memory_space<vmem>>, vector<128x128xf32>
    %dot_general3A = arith.constant dense<0.000000e+00> : vector<1024x128xf32>
    %dot_general3A_18 = tpu.matmul %get3A_14, %get3A_17, %dot_general3A {dimension_numbers = #tpu.dot_dimension_numbers<[1], [0], [0], [1], [0, 0, 1, 1], [], []>, transpose_lhs_hint = false} : vector<1024x128xf32>, vector<128x128xf32>, vector<1024x128xf32> -> vector<1024x128xf32>
    %mul3A = vector.broadcast %rsqrt3A : vector<1024x1xf32> to vector<1024x128xf32>
    %mul3A_19 = arith.mulf %mul3A, %dot_general3A_18 : vector<1024x128xf32>
    %swap3A = arith.constant 0 : index
    %swap3A_20 = arith.constant 0 : index
    %swap3A_21 = vector.load %arg4[%swap3A, %swap3A_20] : memref<1024x128xf32, #tpu.memory_space<vmem>>, vector<1024x128xf32>
    tpu.vector_store %arg4[%swap3A, %swap3A_20], %mul3A_19 {strides = array<i32>} : memref<1024x128xf32, #tpu.memory_space<vmem>>, vector<1024x128xf32>,
    %swap3A_22 = arith.constant 0 : index
    %swap3A_23 = arith.constant 0 : index
    %swap3A_24 = vector.load %arg5[%swap3A_22, %swap3A_23] : memref<1024x1xf32, #tpu.memory_space<vmem>>, vector<1024x1xf32>
    tpu.vector_store %arg5[%swap3A_22, %swap3A_23], %rsqrt3A {strides = array<i32>} : memref<1024x1xf32, #tpu.memory_space<vmem>>, vector<1024x1xf32>,
    return
  }
  func.func @transform_0(%arg0: i32) -> (i32, i32) {
    %c0_i32 = arith.constant 0 : i32
    %c0_i32_0 = arith.constant 0 : i32
    return %arg0, %c0_i32 : i32, i32
  }
  func.func @transform_1(%arg0: i32) -> (i32, i32) {
    %c0_i32 = arith.constant 0 : i32
    %c0_i32_0 = arith.constant 0 : i32
    %c0_i32_1 = arith.constant 0 : i32
    return %c0_i32, %c0_i32_0 : i32, i32
  }
  func.func @transform_2(%arg0: i32) -> (i32, i32, i32) {
    %c0_i32 = arith.constant 0 : i32
    %c0_i32_0 = arith.constant 0 : i32
    %c0_i32_1 = arith.constant 0 : i32
    return %c0_i32, %arg0, %c0_i32_0 : i32, i32, i32
  }
  func.func @transform_3(%arg0: i32) -> (i32, i32) {
    %c0_i32 = arith.constant 0 : i32
    %c0_i32_0 = arith.constant 0 : i32
    return %arg0, %c0_i32 : i32, i32
  }
  func.func @transform_4(%arg0: i32) -> (i32, i32) {
    %c0_i32 = arith.constant 0 : i32
    %c0_i32_0 = arith.constant 0 : i32
    return %arg0, %c0_i32 : i32, i32
  }
}

module attributes {stable_mosaic.version = 14 : i64} {
  func.func @body(%arg0: i32, %arg1: memref<2x1024x128xf32, #tpu.memory_space<vmem>>, %arg2: memref<1024x128xf32, #tpu.memory_space<vmem>>, %arg3: memref<1024x1xf32, #tpu.memory_space<vmem>>, %arg4: memref<2x1024x1xf32, #tpu.memory_space<vmem>>, %arg5: memref<1x128xf32, #tpu.memory_space<vmem>>, %arg6: memref<128x64xf32, #tpu.memory_space<vmem>>, %arg7: memref<1x64xf32, #tpu.memory_space<vmem>>, %arg8: memref<1x64xf32, #tpu.memory_space<vmem>>, %arg9: memref<1x128xf32, #tpu.memory_space<vmem>>) attributes {dimension_semantics = [#tpu.dimension_semantics<arbitrary>], iteration_bounds = array<i64: 10>, scalar_prefetch = 0 : i64, scratch_operands = 1 : i64, tpu.core_type = #tpu.core_type<tc>, window_params = [{transform_indices = @transform_0, window_bounds = array<i64: 2, 1024, 128>}, {transform_indices = @transform_1, window_bounds = array<i64: 1024, 128>}, {transform_indices = @transform_2, window_bounds = array<i64: 1024, 1>}, {transform_indices = @transform_3, window_bounds = array<i64: 2, 1024, 1>}, {pipeline_mode = #tpu.pipeline_mode<synchronous>, transform_indices = @transform_4, window_bounds = array<i64: 1, 128>}, {pipeline_mode = #tpu.pipeline_mode<synchronous>, transform_indices = @transform_5, window_bounds = array<i64: 128, 64>}, {pipeline_mode = #tpu.pipeline_mode<synchronous>, transform_indices = @transform_6, window_bounds = array<i64: 1, 64>}, {pipeline_mode = #tpu.pipeline_mode<synchronous>, transform_indices = @transform_7, window_bounds = array<i64: 1, 64>}]} {
    %get3A = arith.constant 0 : index
    %get3A_0 = arith.constant 0 : index
    %get3A_1 = arith.constant 0 : index
    %get3A_2 = vector.load %arg1[%get3A, %get3A_0, %get3A_1] : memref<2x1024x128xf32, #tpu.memory_space<vmem>>, vector<1x1024x128xf32>
    %get3A_3 = vector.shape_cast %get3A_2 : vector<1x1024x128xf32> to vector<1024x128xf32>
    %get3A_4 = arith.constant 1 : index
    %get3A_5 = arith.constant 0 : index
    %get3A_6 = arith.constant 0 : index
    %get3A_7 = vector.load %arg1[%get3A_4, %get3A_5, %get3A_6] : memref<2x1024x128xf32, #tpu.memory_space<vmem>>, vector<1x1024x128xf32>
    %get3A_8 = vector.shape_cast %get3A_7 : vector<1x1024x128xf32> to vector<1024x128xf32>
    %add3A = arith.addf %get3A_3, %get3A_8 : vector<1024x128xf32>
    %get3A_9 = arith.constant 0 : index
    %get3A_10 = arith.constant 0 : index
    %get3A_11 = vector.load %arg3[%get3A_9, %get3A_10] : memref<1024x1xf32, #tpu.memory_space<vmem>>, vector<1024x1xf32>
    %get3A_12 = arith.constant 0 : index
    %get3A_13 = arith.constant 0 : index
    %get3A_14 = vector.load %arg2[%get3A_12, %get3A_13] : memref<1024x128xf32, #tpu.memory_space<vmem>>, vector<1024x128xf32>
    %add3A_15 = arith.addf %add3A, %get3A_14 : vector<1024x128xf32>
    %mul3A = vector.broadcast %get3A_11 : vector<1024x1xf32> to vector<1024x128xf32>
    %mul3A_16 = arith.mulf %mul3A, %add3A_15 : vector<1024x128xf32>
    %get3A_17 = arith.constant 0 : index
    %get3A_18 = arith.constant 0 : index
    %get3A_19 = vector.load %arg5[%get3A_17, %get3A_18] : memref<1x128xf32, #tpu.memory_space<vmem>>, vector<1x128xf32>
    %add3A_20 = vector.broadcast %get3A_19 : vector<1x128xf32> to vector<1024x128xf32>
    %add3A_21 = arith.addf %mul3A_16, %add3A_20 : vector<1024x128xf32>
    %max3A = arith.constant 0.000000e+00 : f32
    %max3A_22 = vector.broadcast %max3A : f32 to vector<1024x128xf32>
    %max3A_23 = arith.maximumf %add3A_21, %max3A_22 : vector<1024x128xf32>
    %get3A_24 = arith.constant 0 : index
    %get3A_25 = arith.constant 0 : index
    %get3A_26 = arith.constant 0 : index
    %get3A_27 = vector.load %arg4[%get3A_24, %get3A_25, %get3A_26] : memref<2x1024x1xf32, #tpu.memory_space<vmem>>, vector<1x1024x1xf32>
    %get3A_28 = vector.shape_cast %get3A_27 : vector<1x1024x1xf32> to vector<1024x1xf32>
    %get3A_29 = arith.constant 1 : index
    %get3A_30 = arith.constant 0 : index
    %get3A_31 = arith.constant 0 : index
    %get3A_32 = vector.load %arg4[%get3A_29, %get3A_30, %get3A_31] : memref<2x1024x1xf32, #tpu.memory_space<vmem>>, vector<1x1024x1xf32>
    %get3A_33 = vector.shape_cast %get3A_32 : vector<1x1024x1xf32> to vector<1024x1xf32>
    %add3A_34 = arith.addf %get3A_28, %get3A_33 : vector<1024x1xf32>
    %add3A_35 = arith.addf %add3A_34, %get3A_11 : vector<1024x1xf32>
    %mul3A_36 = arith.mulf %get3A_11, %add3A_35 : vector<1024x1xf32>
    %mul3A_37 = arith.constant 1024 : i32
    %mul3A_38 = arith.muli %arg0, %mul3A_37 : i32
    %iota3A = tpu.iota {dimensions = array<i32: 0>} : vector<1024x1xi32>
    %add3A_39 = vector.broadcast %mul3A_38 : i32 to vector<1024x1xi32>
    %add3A_40 = arith.addi %add3A_39, %iota3A : vector<1024x1xi32>
    %lt3A = arith.constant 10000 : i32
    %lt3A_41 = vector.broadcast %lt3A : i32 to vector<1024x1xi32>
    %lt3A_42 = arith.cmpi slt, %add3A_40, %lt3A_41 : vector<1024x1xi32>
    %mul3A_43 = vector.broadcast %mul3A_36 : vector<1024x1xf32> to vector<1024x128xf32>
    %mul3A_44 = arith.mulf %mul3A_43, %max3A_23 : vector<1024x128xf32>
    %jit3A = arith.constant 0.000000e+00 : f32
    %broadcast_in_dim3A = vector.shape_cast %lt3A_42 : vector<1024x1xi1> to vector<1024x1xi1>
    %broadcast_in_dim3A_45 = vector.broadcast %broadcast_in_dim3A : vector<1024x1xi1> to vector<1024x128xi1>
    %broadcast_in_dim3A_46 = vector.broadcast %jit3A : f32 to vector<1024x128xf32>
    %select_n3A = arith.select %broadcast_in_dim3A_45, %mul3A_44, %broadcast_in_dim3A_46 : vector<1024x128xi1>, vector<1024x128xf32>
    %reduce_sum3A = arith.constant dense<0.000000e+00> : vector<128xf32>
    %reduce_sum3A_47 = vector.multi_reduction <add>, %select_n3A, %reduce_sum3A [0] : vector<1024x128xf32> to vector<128xf32>
    %broadcast_in_dim3A_48 = vector.shape_cast %reduce_sum3A_47 : vector<128xf32> to vector<1x128xf32>
    %eq3A = arith.constant 0 : i32
    %eq3A_49 = arith.cmpi eq, %arg0, %eq3A : i32
    %convert_element_type3A = arith.extui %eq3A_49 : i1 to i32
    %cond3A = arith.constant 0 : i32
    %cond3A_50 = arith.cmpi ne, %convert_element_type3A, %cond3A : i32
    scf.if %cond3A_50 {
      %swap3A = arith.constant 0 : index
      %swap3A_60 = arith.constant 0 : index
      %swap3A_61 = vector.load %arg9[%swap3A, %swap3A_60] : memref<1x128xf32, #tpu.memory_space<vmem>>, vector<1x128xf32>
      tpu.vector_store %arg9[%swap3A, %swap3A_60], %broadcast_in_dim3A_48 {strides = array<i32>} : memref<1x128xf32, #tpu.memory_space<vmem>>, vector<1x128xf32>,
    } else {
    }
    %gt3A = arith.constant 0 : i32
    %gt3A_51 = arith.cmpi sgt, %arg0, %gt3A : i32
    %convert_element_type3A_52 = arith.extui %gt3A_51 : i1 to i32
    %cond3A_53 = arith.constant 0 : i32
    %cond3A_54 = arith.cmpi ne, %convert_element_type3A_52, %cond3A_53 : i32
    scf.if %cond3A_54 {
      %get3A_60 = arith.constant 0 : index
      %get3A_61 = arith.constant 0 : index
      %get3A_62 = vector.load %arg9[%get3A_60, %get3A_61] : memref<1x128xf32, #tpu.memory_space<vmem>>, vector<1x128xf32>
      %add3A_63 = arith.addf %get3A_62, %broadcast_in_dim3A_48 : vector<1x128xf32>
      %swap3A = arith.constant 0 : index
      %swap3A_64 = arith.constant 0 : index
      %swap3A_65 = vector.load %arg9[%swap3A, %swap3A_64] : memref<1x128xf32, #tpu.memory_space<vmem>>, vector<1x128xf32>
      tpu.vector_store %arg9[%swap3A, %swap3A_64], %add3A_63 {strides = array<i32>} : memref<1x128xf32, #tpu.memory_space<vmem>>, vector<1x128xf32>,
    } else {
    }
    %eq3A_55 = arith.constant 9 : i32
    %eq3A_56 = arith.cmpi eq, %arg0, %eq3A_55 : i32
    %convert_element_type3A_57 = arith.extui %eq3A_56 : i1 to i32
    %cond3A_58 = arith.constant 0 : i32
    %cond3A_59 = arith.cmpi ne, %convert_element_type3A_57, %cond3A_58 : i32
    scf.if %cond3A_59 {
      %get3A_60 = arith.constant 0 : index
      %get3A_61 = arith.constant 0 : index
      %get3A_62 = vector.load %arg9[%get3A_60, %get3A_61] : memref<1x128xf32, #tpu.memory_space<vmem>>, vector<1x128xf32>
      %get3A_63 = arith.constant 0 : index
      %get3A_64 = arith.constant 0 : index
      %get3A_65 = vector.load %arg6[%get3A_63, %get3A_64] : memref<128x64xf32, #tpu.memory_space<vmem>>, vector<128x64xf32>
      %dot_general3A = arith.constant dense<0.000000e+00> : vector<1x64xf32>
      %dot_general3A_66 = tpu.matmul %get3A_62, %get3A_65, %dot_general3A {dimension_numbers = #tpu.dot_dimension_numbers<[1], [0], [0], [1], [0, 0, 1, 1], [], []>, transpose_lhs_hint = false} : vector<1x128xf32>, vector<128x64xf32>, vector<1x64xf32> -> vector<1x64xf32>
      %mul3A_67 = arith.constant 9.99999974E-5 : f32
      %mul3A_68 = vector.broadcast %mul3A_67 : f32 to vector<1x64xf32>
      %mul3A_69 = arith.mulf %dot_general3A_66, %mul3A_68 : vector<1x64xf32>
      %get3A_70 = arith.constant 0 : index
      %get3A_71 = arith.constant 0 : index
      %get3A_72 = vector.load %arg7[%get3A_70, %get3A_71] : memref<1x64xf32, #tpu.memory_space<vmem>>, vector<1x64xf32>
      %add3A_73 = arith.addf %mul3A_69, %get3A_72 : vector<1x64xf32>
      %swap3A = arith.constant 0 : index
      %swap3A_74 = arith.constant 0 : index
      %swap3A_75 = vector.load %arg8[%swap3A, %swap3A_74] : memref<1x64xf32, #tpu.memory_space<vmem>>, vector<1x64xf32>
      tpu.vector_store %arg8[%swap3A, %swap3A_74], %add3A_73 {strides = array<i32>} : memref<1x64xf32, #tpu.memory_space<vmem>>, vector<1x64xf32>,
    } else {
    }
    return
  }
  func.func @transform_0(%arg0: i32) -> (i32, i32, i32) {
    %c0_i32 = arith.constant 0 : i32
    %c0_i32_0 = arith.constant 0 : i32
    %c0_i32_1 = arith.constant 0 : i32
    return %c0_i32, %arg0, %c0_i32_0 : i32, i32, i32
  }
  func.func @transform_1(%arg0: i32) -> (i32, i32) {
    %c0_i32 = arith.constant 0 : i32
    %c0_i32_0 = arith.constant 0 : i32
    return %arg0, %c0_i32 : i32, i32
  }
  func.func @transform_2(%arg0: i32) -> (i32, i32) {
    %c0_i32 = arith.constant 0 : i32
    %c0_i32_0 = arith.constant 0 : i32
    return %arg0, %c0_i32 : i32, i32
  }
  func.func @transform_3(%arg0: i32) -> (i32, i32, i32) {
    %c0_i32 = arith.constant 0 : i32
    %c0_i32_0 = arith.constant 0 : i32
    %c0_i32_1 = arith.constant 0 : i32
    return %c0_i32, %arg0, %c0_i32_0 : i32, i32, i32
  }
  func.func @transform_4(%arg0: i32) -> (i32, i32) {
    %c0_i32 = arith.constant 0 : i32
    %c0_i32_0 = arith.constant 0 : i32
    %c0_i32_1 = arith.constant 0 : i32
    return %c0_i32, %c0_i32_0 : i32, i32
  }
  func.func @transform_5(%arg0: i32) -> (i32, i32) {
    %c0_i32 = arith.constant 0 : i32
    %c0_i32_0 = arith.constant 0 : i32
    %c0_i32_1 = arith.constant 0 : i32
    return %c0_i32, %c0_i32_0 : i32, i32
  }
  func.func @transform_6(%arg0: i32) -> (i32, i32) {
    %c0_i32 = arith.constant 0 : i32
    %c0_i32_0 = arith.constant 0 : i32
    %c0_i32_1 = arith.constant 0 : i32
    return %c0_i32, %c0_i32_0 : i32, i32
  }
  func.func @transform_7(%arg0: i32) -> (i32, i32) {
    %c0_i32 = arith.constant 0 : i32
    %c0_i32_0 = arith.constant 0 : i32
    %c0_i32_1 = arith.constant 0 : i32
    return %c0_i32, %c0_i32_0 : i32, i32
  }
}

</mosaic_0001>

<sc_bundles>
// kernel: kernel.6.cloned.1.call-start
scs
__scs_entry_jumppad:
0x0: {  	(pc) =	sbr.rel $0x88, $3  }
0x1: {  	(tag) =	ssettag $0x0;
	lr =	simm.s32 $0x1  }
0x2: {  	[smem:$0x3F9B] =	sst lr;
	_ =	strace $0xD0000000  }
0x3: {  	_ = 	snop  }
0x4: {  	_ = 	snop  }
0x5: {  	_ = 	snop  }
0x6: {  	_ = 	snop  }
0x7: {  	_ = 	snop  }
__scs_overlays_trampoline_lowered:
0x8: {  	[smem:$0x3FAA] =	sst s0  }
0x9: {  	[smem:$0x3FAB] =	sst s1  }
0xa: {  	[smem:$0x3FAC] =	sst s2  }
0xb: {  	[smem:$0x3FAD] =	sst s3  }
0xc: {  	[smem:$0x3FAE] =	sst s4  }
0xd: {  	[smem:$0x3FAF] =	sst s5  }
0xe: {  	[smem:$0x3FB0] =	sst s6  }
0xf: {  	[smem:$0x3FB1] =	sst s7  }
0x10: {  	[smem:$0x3FB2] =	sst s8  }
0x11: {  	[smem:$0x3FB3] =	sst s9;
	s0 =	simm.s32 @!p0 $0x0  }
0x12: {  	s1 =	sld [smem:$0x3F99];
	s0 =	simm.s32 @p0 $0x1  }
0x13: {  	[smem:$0x3FB4] =	sst s0;
	s0 =	simm.s32 @!p1 $0x0  }
0x14: {  	s2 =	sld [smem:$0x3F98];
	s0 =	simm.s32 @p1 $0x1  }
0x15: {  	[smem:$0x3FB5] =	sst s0;
	s0 =	simm.s32 @!p2 $0x0  }
0x16: {  	s3 =	sld [smem:$0x3FDB];
	s0 =	simm.s32 @p2 $0x1  }
0x17: {  	s4 =	simm.s32 $0x1BF5;
	[smem:$0x3FB7] =	sst s0  }
0x18: {  	s0 =	sld [smem:$0x3F9A];
	_ =	swait.ge [sflag:s4], $0x0  }
0x19: {  	s7 =	sld [smem:$0x3F9B]  }
0x1a: {  	s8 =	sadd.s32 $0xFFFFE003, lr  }
0x1b: {  	s9 =	sadd.s32 $0xFFFFFEF7, lr;
	s5 =	simm.s32 $0xFFFFFFFF;
	p2 =	slt.u32 s8, $0xFFFFF086  }
0x1c: {  	p1 =	slt.u32 s9, $0xF7A;
	s5 =	simm.s32 @!p2 $0x0  }
0x1d: {  	s5 =	simm.s32 @p1 $0x1;
	p0 =	seq.s32 s7, s2  }
0x1e: {  	s7 =	smul.u32 @!p0 $0xF7A, s2;
	p2 =	seq.s32 @!p0 s5, $0x0  }
0x1f: {  	s9 =	smul.u32 $0xF7A, s1;
	s8 =	simm.s32 @!p0 $0x1BF5;
	p2 =	por !p2, p0  }
0x20: {  	[sflag:s8] =	ssyncset.s32 @!p0 $0xFFFFF086;
	s6 =	sadd.s32 @!p0 s3, s7;
	s7 =	simm.s32 @!p0 $0x108  }
0x21: {  	s3 =	sadd.s32 s3, s9;
	s6 =	sadd.s32 @!p0 $0x88, s6;
	s7 =	simm.s32 @p2 $0x1082  }
0x22: {  	[simem:s7], [sflag:s8] =	dma.local @!p0 [hbm:s6], $0xF7A  }
0x23: {  	s9 =	sor.u32 $0xD0000000, s2;
	s6 =	simm.s32 $0x108;
	_ =	swait.ge @!p0 [sflag:s8], $0x0  }
0x24: {  	s3 =	sadd.s32 $0x88, s3;
	s6 =	simm.s32 @!p1 $0x1082;
	[sflag:s4] =	ssyncset.s32 $0xFFFFF086  }
0x25: {  	[simem:s6], [sflag:s4] =	dma.local [hbm:s3], $0xF7A  }
0x26: {  	[smem:$0x3F9B] =	sst s1;
	(tag) =	ssettag s2;
	_ =	strace s9  }
0x27: {  	s1 =	sld [smem:$0x3FAB]  }
0x28: {  	s2 =	sld [smem:$0x3FAC]  }
0x29: {  	s4 =	sld [smem:$0x3FAE]  }
0x2a: {  	p0 =	seq.s32 s5, $0x0;
	s5 =	sld [smem:$0x3FAF]  }
0x2b: {  	s6 =	sld [smem:$0x3FB0]  }
0x2c: {  	s7 =	sld [smem:$0x3FB1]  }
0x2d: {  	s3 =	simm.s32 $0x108;
	s8 =	sld [smem:$0x3FB2]  }
0x2e: {  	s3 =	simm.s32 @!p0 $0x1082;
	s9 =	sld [smem:$0x3FB3]  }
0x2f: {  	lr =	sadd.s32 s0, s3;
	s0 =	sld [smem:$0x3FAA]  }
0x30: {  	s3 =	sld [smem:$0x3FAD]  }
0x31: {  	[smem:$0x3FB6] =	sst s10  }
0x32: {  	s10 =	sld [smem:$0x3FB4];
	_ =	sdelay $0x3  }
0x33: {  	p0 =	seq.s32 s10, $0x1;
	s10 =	sld [smem:$0x3FB6];
	_ =	sdelay $0x3  }
0x34: {  	[smem:$0x3FB6] =	sst s10  }
0x35: {  	s10 =	sld [smem:$0x3FB5];
	_ =	sdelay $0x3  }
0x36: {  	p1 =	seq.s32 s10, $0x1;
	s10 =	sld [smem:$0x3FB6];
	_ =	sdelay $0x3  }
0x37: {  	[smem:$0x3FB6] =	sst s10  }
0x38: {  	s10 =	sld [smem:$0x3FB7]  }
0x39: {  	_ = 	snop;
	(pc) =	sbr.ind lr, $3  }
0x3a: {  	_ = 	snop  }
0x3b: {  	_ = 	snop  }
0x3c: {  	p2 =	seq.s32 s10, $0x1;
	s10 =	sld [smem:$0x3FB6]  }
0x3d: {  	_ =	shalt  }
0x3e: {  	_ =	shalt  }
0x3f: {  	_ =	shalt  }
0x40: {  	_ =	shalt  }
0x41: {  	_ =	shalt  }
0x42: {  	_ =	shalt  }
0x43: {  	_ =	shalt  }
0x44: {  	_ =	shalt  }
0x45: {  	_ =	shalt  }
0x46: {  	_ =	shalt  }
0x47: {  	_ =	shalt  }
0x48: {  	_ =	shalt  }
0x49: {  	_ =	shalt  }
0x4a: {  	_ =	shalt  }
0x4b: {  	_ =	shalt  }
0x4c: {  	_ =	shalt  }
0x4d: {  	_ =	shalt  }
0x4e: {  	_ =	shalt  }
0x4f: {  	_ =	shalt  }
0x50: {  	_ =	shalt  }
0x51: {  	_ =	shalt  }
0x52: {  	_ =	shalt  }
0x53: {  	_ =	shalt  }
0x54: {  	_ =	shalt  }
0x55: {  	_ =	shalt  }
0x56: {  	_ =	shalt  }
0x57: {  	_ =	shalt  }
0x58: {  	_ =	shalt  }
0x59: {  	_ =	shalt  }
0x5a: {  	_ =	shalt  }
0x5b: {  	_ =	shalt  }
0x5c: {  	_ =	shalt  }
0x5d: {  	_ =	shalt  }
0x5e: {  	_ =	shalt  }
0x5f: {  	_ =	shalt  }
0x60: {  	_ =	shalt  }
0x61: {  	_ =	shalt  }
0x62: {  	_ =	shalt  }
0x63: {  	_ =	shalt  }
0x64: {  	_ =	shalt  }
0x65: {  	_ =	shalt  }
0x66: {  	_ =	shalt  }
0x67: {  	_ =	shalt  }
0x68: {  	_ =	shalt  }
0x69: {  	_ =	shalt  }
0x6a: {  	_ =	shalt  }
0x6b: {  	_ =	shalt  }
0x6c: {  	_ =	shalt  }
0x6d: {  	_ =	shalt  }
0x6e: {  	_ =	shalt  }
0x6f: {  	_ =	shalt  }
0x70: {  	_ =	shalt  }
0x71: {  	_ =	shalt  }
0x72: {  	_ =	shalt  }
0x73: {  	_ =	shalt  }
0x74: {  	_ =	shalt  }
0x75: {  	_ =	shalt  }
0x76: {  	_ =	shalt  }
0x77: {  	_ =	shalt  }
0x78: {  	_ =	shalt  }
0x79: {  	_ =	shalt  }
0x7a: {  	_ =	shalt  }
0x7b: {  	_ =	shalt  }
0x7c: {  	_ =	shalt  }
0x7d: {  	_ =	shalt  }
0x7e: {  	_ =	shalt  }
0x7f: {  	_ =	shalt  }
0x80: {  	_ =	shalt  }
0x81: {  	_ =	shalt  }
0x82: {  	_ =	shalt  }
0x83: {  	_ =	shalt  }
0x84: {  	_ =	shalt  }
0x85: {  	_ =	shalt  }
0x86: {  	_ =	shalt  }
0x87: {  	_ =	shalt  }
.Lfunc_end0:
.L_simem_size_0:
called_computation_lowered:
.L_overlay_start_0:
0x88: {  	s2 =	sld [smem:$0x3FD9]  }
0x89: {  	s3 =	sld [smem:$0x3FFE];
	_ =	sdelay $0x1  }
0x8a: {  	s1 =	srdreg.scid  }
0x8b: {  	s0 =	sand.u32 $0x1, s1  }
0x8c: {  	s16 =	sshll.u32 s0, $0xA;
	s2 =	sadd.s32 s3, s2  }
0x8d: {  	s2 =	sadd.s32 s2, s16  }
0x8e: {  	[smem:$0x3FC2] =	sst s2  }
0x8f: {  	_ = 	snop  }
0x90: {  	(tm) =	ssettm $0x1  }
0x91: {  	s17 =	sld [smem:$0x3FFB];
	_ =	sdelay $0x3  }
0x92: {  	_ =	strace s17  }
0x93: {  	s2 =	sld [smem:$0x3FFC];
	_ =	sdelay $0x3  }
0x94: {  	_ =	strace s2  }
0x95: {  	s2 =	sld [smem:$0x3FFD];
	_ =	sdelay $0x3  }
0x96: {  	_ =	strace s2  }
0x97: {  	_ =	strace $0x8FFFFFFF  }
0x98: {  	s18 =	sld [smem:$0x3FDB];
	_ =	sdelay $0x1  }
0x99: {  	s19 =	simm.s32 $_scs_section_size  }
0x9a: {  	s4 =	simm.s32 $_size__tile_overlayer_lowered;
	s5 =	simm.s32 $_tile_overlayer_lowered  }
0x9b: {  	s22 =	simm.s32 $0x1BFF;
	s21 =	sshll.u32 s5, $0x1;
	s2 =	sadd.s32 s19, s18  }
0x9c: {  	s6 =	simm.s32 $0x0;
	s20 =	sshll.u32 s4, $0x1;
	s4 =	sadd.s32 s21, s2  }
0x9d: {  	[timem:s6], [sflag:s22] =	dma.local [hbm:s4], s20  }
0x9e: {  	_ =	swait.ge [sflag:s22], s20  }
0x9f: {  	s3 =	ssub.s32 $0x0, s20;
	[sflag:s22] =	ssyncset.done $0x0  }
0xa0: {  	[sflag:s22] =	ssyncadd.s32 s3;
	_ =	sdelay $0x1  }
0xa1: {  	s23 =	simm.s32 $0x1B8B  }
0xa2: {  	_ =	swait.ge [sflag:s23], $0x1  }
0xa3: {  	[sflag:s23] =	ssyncset.done $0x0  }
0xa4: {  	s25 =	simm.s32 $0x1B8E;
	s24 =	sld [smem:$0x3FFE];
	[sflag:s23] =	ssyncadd.s32 $0xFFFFFFFF  }
0xa5: {  	s26 =	simm.s32 $execute0_lowered;
	[smem:$0x3FD2] =	sst s25  }
0xa6: {  	s4 =	sshll.u32 s26, $0x1;
	_ =	strace $0x80000046;
	[dreg:$0x1] =	wrdreg $0xFFFFFFFF  }
0xa7: {  	s28 =	simm.s32 $_size_execute0_lowered;
	s2 =	sadd.s32 s2, s4;
	[dreg:$0x0] =	wrdreg $0x0  }
0xa8: {  	s4 =	sshll.u32 s28, $0x1;
	[dreg:$0x2] =	wrdreg s2  }
0xa9: {  	[dreg:$0x3] =	wrdreg s4  }
0xaa: {  	[dreg:$0x4] =	wrdreg $0xC0  }
0xab: {  	_ =	task [dreg:s6], $0x5FFFF  }
0xac: {  	[dreg:$0x1] =	wrdreg $0xFFFFFFFF  }
0xad: {  	[dreg:$0x0] =	wrdreg $0x60  }
0xae: {  	[dreg:$0x2] =	wrdreg s24  }
0xaf: {  	[dreg:$0x3] =	wrdreg $0x40800  }
0xb0: {  	[dreg:$0x4] =	wrdreg $0x9  }
0xb1: {  	_ =	task.clear_ibuf [dreg:s6], $0x5FFFF;
	_ =	strace $0x90000046  }
0xb2: {  	s29 =	simm.s32 $0x9;
	_ =	strace $0x80000048  }
0xb3: {  	_ =	swait.ge [sflag:s29], $0x1  }
0xb4: {  	[sflag:s29] =	ssyncadd.s32 $0xFFFFFFFF  }
0xb5: {  	_ =	strace $0x90000048  }
0xb6: {  	_ =	sfence  }
0xb7: {  	s30 =	sld [smem:$0x0];
	_ =	sdelay $0x2  }
0xb8: {  	s31 =	sshll.u32 s1, $0xD;
	s1 =	sshrl.u32 s1, $0x2  }
0xb9: {  	s3 =	sand.u32 $0x4000, s31;
	s1 =	sadd.s32 s1, s30  }
0xba: {  	s0 =	sor.u32 s3, s0;
	s1 =	sshll.u32 s1, $0x11  }
0xbb: {  	s0 =	sor.u32 s1, s0  }
0xbc: {  	s0 =	sadd.s32 $0x8F2B, s0  }
0xbd: {  	[sflag:s0] =	ssyncadd.remote.s32 $0x1  }
0xbe: {  	_ =	sfence.sel $0xFFFF  }
0xbf: {  	[dreg:$0x0] =	wrdreg $0xFFFFFFFF;
	(pc) =	sbr.abs _section_cstart, $3  }
0xc0: {  	[dreg:$0x1] =	wrdreg $0xFFFFFFFF  }
0xc1: {  	_ =	task.clear_ibuf [dreg:s6], $0x2FFFF;
	_ =	strace $0x9FFFFFFF  }
0xc2: {  	(tm) =	ssettm $0x7FFFFFFF  }
0xc3: {  	_ =	shalt  }
tec
execute0_lowered:
.L_overlay_start_1:
0x0: {  	(tag) =	ssettag $0x1  }
0x1: {  	s4 =	rddreg [dreg:$0x0]  }
0x2: {  	s2 =	rddreg [dreg:$0x1]  }
0x3: {  	s0 =	rddreg [dreg:$0x2];
	s3 =	simm.s32 $0x0;
	s1 =	stileid.u32  }
0x4: {  	s6 =	srdreg.scid;
	s12 =	simm.s32 $0x2000;
	s13 =	simm.s32 $0x50  }
0x5: {  	s14 =	simm.s32 $0x4000;
	s15 =	simm.s32 $0x1;
	s16 =	simm.s32 $0x20  }
0x6: {  	s17 =	simm.s32 $0x10;
	s18 =	simm.s32 $0x0;
	[smem:$0x7FF] =	sst s3  }
0x7: {  	s5 =	smul.u32 $0x280, s1;
	s7 =	sshll.u32 s1, $0xB;
	s6 =	sand.u32 $0x1, s6  }
0x8: {  	s8 =	smul.u32 $0x500, s1;
	s31 =	sshll.u32 s1, $0x6;
	_ =	strace $0x80000047  }
0x9: {  	s7 =	sadd.s32 s7, s4;
	s9 =	sshll.u32 s6, $0x7;
	s28 =	ssub.s32 $0x2, s6  }
0xa: {  	s29 =	sshll.u32 s6, $0xF;
	s10 =	sshrl.u32 s5, $0x3;
	s8 =	sor.u32 s9, s8  }
0xb: {  	s11 =	sshrl.u32 s28, $0x1;
	s30 =	sadd.s32 s5, s2;
	s6 =	sadd.s32 s29, s7  }
0xc: {  	s5 =	sor.u32 $0x1C02, s31;
	s10 =	sadd.s32 s10, s4;
	s8 =	sshrl.u32 s8, $0x3  }
0xd: {  	s9 =	ssub.s32 s28, s11;
	s6 =	sadd.s32 $0x2000, s6;
	s8 =	sadd.s32 s8, s4  }
0xe: {  	s4 =	sadd.s32 $0x12000, s10;
	s10 =	simm.s32 $0x2;
	s11 =	sadd.s32 $0x400, s6  }
0xf: {  	v0 =	vimm.f32 $1.000000000e+00;
	s7 =	sadd.s32 $0x12600, s8;
	s8 =	smax.u32 s9, $0x1;
	s9 =	sshrl.u32 s30, $0x3  }
.LBB2_1:
0x10: {  	[spmem:s9], [sflag:s5] =	dma.local [hbm:s4], $0x50  }
0x11: {  	_ =	swait.ge [sflag:s10], $0x50  }
0x12: {  	[sflag:s10] =	ssyncset.done $0x0  }
0x13: {  	[sflag:s10] =	ssyncadd.s32 $0xFFFFFFB0  }
0x14: {  	[tilespmem:$0x4000] =	vst v0  }
0x15: {  	[tilespmem:$0x4010] =	vst v0  }
0x16: {  	[tilespmem:$0x4020] =	vst v0  }
0x17: {  	[tilespmem:$0x4030] =	vst v0  }
0x18: {  	[tilespmem:$0x4040] =	vst v0  }
0x19: {  	[tilespmem:s3], [sflag:$0x2] =	stream.linear.gather [hbm4b:s6+s3], $0x1F80, $0x38;
	[tilespmem:$0x4300] =	vst v63  }
0x1a: {  	p0 =	por $0x1, $0x1  }
0x1b: {  	[tilespmem:s12], [sflag:$0x2] =	stream.linear.gather [hbm4b:s11+s3], $0x1F80, $0x38;
	[tilespmem:$0x4300] =	vst v63  }
0x1c: {  	s19 =	simm.s32 $0xFFFF8200;
	p1 =	por $0x0, $0x0;
	_ =	swait.ge [sflag:s10], $0x3F00  }
0x1d: {  	s20 =	simm.s32 $0x2000;
	s19 =	smov.u32 @p0 s3;
	[sflag:s10] =	ssyncset.done $0x0  }
0x1e: {  	s20 =	simm.s32 @!p1 $0x0;
	s19 =	sshra.s32 s19, $0x2;
	[sflag:s10] =	ssyncadd.s32 $0xFFFFC100  }
0x1f: {  	s19 =	sadd.s32 s19, s20;
	[bflag:$0x0] =	sbarrier.arrive $0xFFFF  }
0x20: {  	[spmem:s2] =	stream.indirect.scatter.add.f32 [tilespmem:s14], [sflag:$0x1], $0x1, s19, s13, $0xb8;
	[tilespmem:$0x4300] =	vst v63  }
0x21: {  	s20 =	simm.s32 $0x0;
	s19 =	simm.s32 $0x1  }
.LBB2_2:
0x22: {  	p0 =	slt.u32 s19, $0x3F  }
0x23: {  	s20 =	sadd.s32 $0x200, s20;
	s21 =	smov.u32 s19;
	p1 =	sne.s32 s19, $0x7D  }
.Ltmp0:
0x24: {  	s19 =	sadd.s32 $0x1, s19;
	s22 =	sadd.s32 $0xFFFF8200, s20;
	(pc) =	sbr.rel @p1 .LBB2_2-.Ltmp0, $4  }
0x25: {  	p2 =	sgt.u32 s21, $0x3E;
	s21 =	simm.s32 $0x2000;
	s22 =	smov.u32 @p0 s20  }
0x26: {  	s21 =	simm.s32 @!p2 $0x0;
	s22 =	sshra.s32 s22, $0x2  }
0x27: {  	s21 =	sadd.s32 s22, s21  }
0x28: {  	[spmem:s2] =	stream.indirect.scatter.add.f32 [tilespmem:s14], [sflag:$0x1], $0x1, s21, s13, $0xb8;
	[tilespmem:$0x4300] =	vst v63  }
0x29: {  	_ =	swait.ge [sflag:s15], $0x50  }
0x2a: {  	s19 =	simm.s32 $0x7D;
	[sflag:s15] =	ssyncset.done $0x0  }
.LBB2_4:
0x2b: {  	p0 =	sne.s32 s19, $0x1;
	s19 =	sadd.s32 $0xFFFFFFFF, s19;
	[sflag:s15] =	ssyncadd.s32 $0xFFFFFFB0  }
.Ltmp1:
0x2c: {  	(pc) =	sbr.rel @p0 .LBB2_4-.Ltmp1, $3  }
0x2d: {  	_ =	sdelay $0x1  }
0x2e: {  	_ =	swait.ge [sflag:s15], $0x50  }
0x2f: {  	[sflag:s15] =	ssyncset.done $0x0  }
0x30: {  	s18 =	sadd.s32 $0x1, s18  }
0x31: {  	[sflag:s15] =	ssyncadd.s32 $0xFFFFFFB0;
	p0 =	sne.s32 s18, s8  }
.Ltmp2:
0x32: {  	[bflag:$0x0] =	sbarrier.arrive $0xFFFF;
	(pc) =	sbr.rel @p0 .LBB2_1-.Ltmp2, $4  }
0x33: {  	[hbm:s7@s16], [sflag:s5] =	dma.strided [spmem:s9@s17], $0x50, s15, $0x10   }
0x34: {  	_ =	swait.ge [sflag:s10], $0x50  }
0x35: {  	[sflag:s10] =	ssyncset.done $0x0  }
0x36: {  	[sflag:s10] =	ssyncadd.s32 $0xFFFFFFB0  }
0x37: {  	_ =	sfence.sel $0x180000  }
0x38: {  	[bflag:$0x0] =	sbarrier.arrive $0xFFFF  }
0x39: {  	p0 =	sne.s32 s1, $0x0;
	_ =	strace $0x90000047  }
0x3a: {  	s0 =	sadd.s32 @!p0 $0x100000, s0;
	[bflag:$0x2] =	sbarrier.arrive $0xFFFF  }
0x3b: {  	[sflag:s0] =	ssyncadd.tile.s32 @!p0 $0x1;
	_ =	shalt  }
.Lfunc_end2:
_tile_overlayer_lowered:
.L_overlay_start_2:
0x3c: {  	(tag) =	ssettag $0x2  }
0x3d: {  	s0 =	rddreg [dreg:$0x0];
	s2 =	stileid.u32  }
0x3e: {  	s1 =	rddreg [dreg:$0x1];
	p0 =	sne.s32 s2, $0x0  }
0x3f: {  	s3 =	rddreg [dreg:$0x2];
	[bflag:$0x3] =	sbarrier.arrive $0xFFFF;
	s2 =	simm.s32 @!p0 $0x1C02  }
0x40: {  	[timem:s3], [sflag:s2] =	dma.local @!p0 [hbm:s0], s1  }
0x41: {  	s0 =	simm.s32 @!p0 $0x2  }
0x42: {  	_ =	swait.ge @!p0 [sflag:s0], s1  }
0x43: {  	s1 =	ssub.s32 @!p0 $0x0, s1;
	[sflag:s0] =	ssyncset.done @!p0 $0x0  }
0x44: {  	[sflag:s0] =	ssyncadd.s32 @!p0 s1  }
0x45: {  	[bflag:$0x3] =	sbarrier.arrive $0xFFFF  }
0x46: {  	_ =	shalt  }

// kernel: kernel.9.cloned.1.call-start
scs
__scs_entry_jumppad:
0x0: {  	(pc) =	sbr.rel $0x88, $3  }
0x1: {  	(tag) =	ssettag $0x0;
	lr =	simm.s32 $0x1  }
0x2: {  	[smem:$0x3F9B] =	sst lr;
	_ =	strace $0xD0000000  }
0x3: {  	_ = 	snop  }
0x4: {  	_ = 	snop  }
0x5: {  	_ = 	snop  }
0x6: {  	_ = 	snop  }
0x7: {  	_ = 	snop  }
__scs_overlays_trampoline_lowered:
0x8: {  	[smem:$0x3FAA] =	sst s0  }
0x9: {  	[smem:$0x3FAB] =	sst s1  }
0xa: {  	[smem:$0x3FAC] =	sst s2  }
0xb: {  	[smem:$0x3FAD] =	sst s3  }
0xc: {  	[smem:$0x3FAE] =	sst s4  }
0xd: {  	[smem:$0x3FAF] =	sst s5  }
0xe: {  	[smem:$0x3FB0] =	sst s6  }
0xf: {  	[smem:$0x3FB1] =	sst s7  }
0x10: {  	[smem:$0x3FB2] =	sst s8  }
0x11: {  	[smem:$0x3FB3] =	sst s9;
	s0 =	simm.s32 @!p0 $0x0  }
0x12: {  	s1 =	sld [smem:$0x3F99];
	s0 =	simm.s32 @p0 $0x1  }
0x13: {  	[smem:$0x3FB4] =	sst s0;
	s0 =	simm.s32 @!p1 $0x0  }
0x14: {  	s2 =	sld [smem:$0x3F98];
	s0 =	simm.s32 @p1 $0x1  }
0x15: {  	[smem:$0x3FB5] =	sst s0;
	s0 =	simm.s32 @!p2 $0x0  }
0x16: {  	s3 =	sld [smem:$0x3FDB];
	s0 =	simm.s32 @p2 $0x1  }
0x17: {  	s4 =	simm.s32 $0x1BF5;
	[smem:$0x3FB7] =	sst s0  }
0x18: {  	s0 =	sld [smem:$0x3F9A];
	_ =	swait.ge [sflag:s4], $0x0  }
0x19: {  	s7 =	sld [smem:$0x3F9B]  }
0x1a: {  	s8 =	sadd.s32 $0xFFFFE003, lr  }
0x1b: {  	s9 =	sadd.s32 $0xFFFFFEF7, lr;
	s5 =	simm.s32 $0xFFFFFFFF;
	p2 =	slt.u32 s8, $0xFFFFF086  }
0x1c: {  	p1 =	slt.u32 s9, $0xF7A;
	s5 =	simm.s32 @!p2 $0x0  }
0x1d: {  	s5 =	simm.s32 @p1 $0x1;
	p0 =	seq.s32 s7, s2  }
0x1e: {  	s7 =	smul.u32 @!p0 $0xF7A, s2;
	p2 =	seq.s32 @!p0 s5, $0x0  }
0x1f: {  	s9 =	smul.u32 $0xF7A, s1;
	s8 =	simm.s32 @!p0 $0x1BF5;
	p2 =	por !p2, p0  }
0x20: {  	[sflag:s8] =	ssyncset.s32 @!p0 $0xFFFFF086;
	s6 =	sadd.s32 @!p0 s3, s7;
	s7 =	simm.s32 @!p0 $0x108  }
0x21: {  	s3 =	sadd.s32 s3, s9;
	s6 =	sadd.s32 @!p0 $0x88, s6;
	s7 =	simm.s32 @p2 $0x1082  }
0x22: {  	[simem:s7], [sflag:s8] =	dma.local @!p0 [hbm:s6], $0xF7A  }
0x23: {  	s9 =	sor.u32 $0xD0000000, s2;
	s6 =	simm.s32 $0x108;
	_ =	swait.ge @!p0 [sflag:s8], $0x0  }
0x24: {  	s3 =	sadd.s32 $0x88, s3;
	s6 =	simm.s32 @!p1 $0x1082;
	[sflag:s4] =	ssyncset.s32 $0xFFFFF086  }
0x25: {  	[simem:s6], [sflag:s4] =	dma.local [hbm:s3], $0xF7A  }
0x26: {  	[smem:$0x3F9B] =	sst s1;
	(tag) =	ssettag s2;
	_ =	strace s9  }
0x27: {  	s1 =	sld [smem:$0x3FAB]  }
0x28: {  	s2 =	sld [smem:$0x3FAC]  }
0x29: {  	s4 =	sld [smem:$0x3FAE]  }
0x2a: {  	p0 =	seq.s32 s5, $0x0;
	s5 =	sld [smem:$0x3FAF]  }
0x2b: {  	s6 =	sld [smem:$0x3FB0]  }
0x2c: {  	s7 =	sld [smem:$0x3FB1]  }
0x2d: {  	s3 =	simm.s32 $0x108;
	s8 =	sld [smem:$0x3FB2]  }
0x2e: {  	s3 =	simm.s32 @!p0 $0x1082;
	s9 =	sld [smem:$0x3FB3]  }
0x2f: {  	lr =	sadd.s32 s0, s3;
	s0 =	sld [smem:$0x3FAA]  }
0x30: {  	s3 =	sld [smem:$0x3FAD]  }
0x31: {  	[smem:$0x3FB6] =	sst s10  }
0x32: {  	s10 =	sld [smem:$0x3FB4];
	_ =	sdelay $0x3  }
0x33: {  	p0 =	seq.s32 s10, $0x1;
	s10 =	sld [smem:$0x3FB6];
	_ =	sdelay $0x3  }
0x34: {  	[smem:$0x3FB6] =	sst s10  }
0x35: {  	s10 =	sld [smem:$0x3FB5];
	_ =	sdelay $0x3  }
0x36: {  	p1 =	seq.s32 s10, $0x1;
	s10 =	sld [smem:$0x3FB6];
	_ =	sdelay $0x3  }
0x37: {  	[smem:$0x3FB6] =	sst s10  }
0x38: {  	s10 =	sld [smem:$0x3FB7]  }
0x39: {  	_ = 	snop;
	(pc) =	sbr.ind lr, $3  }
0x3a: {  	_ = 	snop  }
0x3b: {  	_ = 	snop  }
0x3c: {  	p2 =	seq.s32 s10, $0x1;
	s10 =	sld [smem:$0x3FB6]  }
0x3d: {  	_ =	shalt  }
0x3e: {  	_ =	shalt  }
0x3f: {  	_ =	shalt  }
0x40: {  	_ =	shalt  }
0x41: {  	_ =	shalt  }
0x42: {  	_ =	shalt  }
0x43: {  	_ =	shalt  }
0x44: {  	_ =	shalt  }
0x45: {  	_ =	shalt  }
0x46: {  	_ =	shalt  }
0x47: {  	_ =	shalt  }
0x48: {  	_ =	shalt  }
0x49: {  	_ =	shalt  }
0x4a: {  	_ =	shalt  }
0x4b: {  	_ =	shalt  }
0x4c: {  	_ =	shalt  }
0x4d: {  	_ =	shalt  }
0x4e: {  	_ =	shalt  }
0x4f: {  	_ =	shalt  }
0x50: {  	_ =	shalt  }
0x51: {  	_ =	shalt  }
0x52: {  	_ =	shalt  }
0x53: {  	_ =	shalt  }
0x54: {  	_ =	shalt  }
0x55: {  	_ =	shalt  }
0x56: {  	_ =	shalt  }
0x57: {  	_ =	shalt  }
0x58: {  	_ =	shalt  }
0x59: {  	_ =	shalt  }
0x5a: {  	_ =	shalt  }
0x5b: {  	_ =	shalt  }
0x5c: {  	_ =	shalt  }
0x5d: {  	_ =	shalt  }
0x5e: {  	_ =	shalt  }
0x5f: {  	_ =	shalt  }
0x60: {  	_ =	shalt  }
0x61: {  	_ =	shalt  }
0x62: {  	_ =	shalt  }
0x63: {  	_ =	shalt  }
0x64: {  	_ =	shalt  }
0x65: {  	_ =	shalt  }
0x66: {  	_ =	shalt  }
0x67: {  	_ =	shalt  }
0x68: {  	_ =	shalt  }
0x69: {  	_ =	shalt  }
0x6a: {  	_ =	shalt  }
0x6b: {  	_ =	shalt  }
0x6c: {  	_ =	shalt  }
0x6d: {  	_ =	shalt  }
0x6e: {  	_ =	shalt  }
0x6f: {  	_ =	shalt  }
0x70: {  	_ =	shalt  }
0x71: {  	_ =	shalt  }
0x72: {  	_ =	shalt  }
0x73: {  	_ =	shalt  }
0x74: {  	_ =	shalt  }
0x75: {  	_ =	shalt  }
0x76: {  	_ =	shalt  }
0x77: {  	_ =	shalt  }
0x78: {  	_ =	shalt  }
0x79: {  	_ =	shalt  }
0x7a: {  	_ =	shalt  }
0x7b: {  	_ =	shalt  }
0x7c: {  	_ =	shalt  }
0x7d: {  	_ =	shalt  }
0x7e: {  	_ =	shalt  }
0x7f: {  	_ =	shalt  }
0x80: {  	_ =	shalt  }
0x81: {  	_ =	shalt  }
0x82: {  	_ =	shalt  }
0x83: {  	_ =	shalt  }
0x84: {  	_ =	shalt  }
0x85: {  	_ =	shalt  }
0x86: {  	_ =	shalt  }
0x87: {  	_ =	shalt  }
.Lfunc_end0:
.L_simem_size_0:
called_computation.1_lowered:
.L_overlay_start_0:
0x88: {  	s2 =	sld [smem:$0x3FD9]  }
0x89: {  	s3 =	sld [smem:$0x3FFE];
	_ =	sdelay $0x1  }
0x8a: {  	s1 =	srdreg.scid  }
0x8b: {  	s0 =	sand.u32 $0x1, s1  }
0x8c: {  	s16 =	sshll.u32 s0, $0xA;
	s2 =	sadd.s32 s3, s2  }
0x8d: {  	s2 =	sadd.s32 s2, s16  }
0x8e: {  	[smem:$0x3FC2] =	sst s2  }
0x8f: {  	_ = 	snop  }
0x90: {  	(tm) =	ssettm $0x1  }
0x91: {  	s17 =	sld [smem:$0x3FFB];
	_ =	sdelay $0x3  }
0x92: {  	_ =	strace s17  }
0x93: {  	s2 =	sld [smem:$0x3FFC];
	_ =	sdelay $0x3  }
0x94: {  	_ =	strace s2  }
0x95: {  	s2 =	sld [smem:$0x3FFD];
	_ =	sdelay $0x3  }
0x96: {  	_ =	strace s2  }
0x97: {  	_ =	strace $0x8FFFFFFF  }
0x98: {  	s18 =	sld [smem:$0x3FDB];
	_ =	sdelay $0x1  }
0x99: {  	s19 =	simm.s32 $_scs_section_size  }
0x9a: {  	s4 =	simm.s32 $_size__tile_overlayer_lowered;
	s5 =	simm.s32 $_tile_overlayer_lowered  }
0x9b: {  	s22 =	simm.s32 $0x1BFF;
	s21 =	sshll.u32 s5, $0x1;
	s2 =	sadd.s32 s19, s18  }
0x9c: {  	s6 =	simm.s32 $0x0;
	s20 =	sshll.u32 s4, $0x1;
	s4 =	sadd.s32 s21, s2  }
0x9d: {  	[timem:s6], [sflag:s22] =	dma.local [hbm:s4], s20  }
0x9e: {  	_ =	swait.ge [sflag:s22], s20  }
0x9f: {  	s3 =	ssub.s32 $0x0, s20;
	[sflag:s22] =	ssyncset.done $0x0  }
0xa0: {  	[sflag:s22] =	ssyncadd.s32 s3;
	_ =	sdelay $0x1  }
0xa1: {  	s23 =	simm.s32 $0x1B8B  }
0xa2: {  	_ =	swait.ge [sflag:s23], $0x1  }
0xa3: {  	[sflag:s23] =	ssyncset.done $0x0  }
0xa4: {  	s25 =	simm.s32 $0x1B8E;
	s24 =	sld [smem:$0x3FFE];
	[sflag:s23] =	ssyncadd.s32 $0xFFFFFFFF  }
0xa5: {  	s26 =	simm.s32 $execute0_lowered;
	[smem:$0x3FD2] =	sst s25  }
0xa6: {  	s4 =	sshll.u32 s26, $0x1;
	_ =	strace $0x80000049;
	[dreg:$0x1] =	wrdreg $0xFFFFFFFF  }
0xa7: {  	s28 =	simm.s32 $_size_execute0_lowered;
	s2 =	sadd.s32 s2, s4;
	[dreg:$0x0] =	wrdreg $0x0  }
0xa8: {  	s4 =	sshll.u32 s28, $0x1;
	[dreg:$0x2] =	wrdreg s2  }
0xa9: {  	[dreg:$0x3] =	wrdreg s4  }
0xaa: {  	[dreg:$0x4] =	wrdreg $0xC0  }
0xab: {  	_ =	task [dreg:s6], $0x5FFFF  }
0xac: {  	[dreg:$0x1] =	wrdreg $0xFFFFFFFF  }
0xad: {  	[dreg:$0x0] =	wrdreg $0x60  }
0xae: {  	[dreg:$0x2] =	wrdreg s24  }
0xaf: {  	[dreg:$0x3] =	wrdreg $0xBA000  }
0xb0: {  	[dreg:$0x4] =	wrdreg $0x1FA000  }
0xb1: {  	[dreg:$0x5] =	wrdreg $0x9  }
0xb2: {  	_ =	task.clear_ibuf [dreg:s6], $0x6FFFF;
	_ =	strace $0x90000049  }
0xb3: {  	s29 =	simm.s32 $0x9;
	_ =	strace $0x8000004B  }
0xb4: {  	_ =	swait.ge [sflag:s29], $0x1  }
0xb5: {  	[sflag:s29] =	ssyncadd.s32 $0xFFFFFFFF  }
0xb6: {  	_ =	strace $0x9000004B  }
0xb7: {  	_ =	sfence  }
0xb8: {  	s30 =	sld [smem:$0x0];
	_ =	sdelay $0x2  }
0xb9: {  	s31 =	sshll.u32 s1, $0xD;
	s1 =	sshrl.u32 s1, $0x2  }
0xba: {  	s3 =	sand.u32 $0x4000, s31;
	s1 =	sadd.s32 s1, s30  }
0xbb: {  	s0 =	sor.u32 s3, s0;
	s1 =	sshll.u32 s1, $0x11  }
0xbc: {  	s0 =	sor.u32 s1, s0  }
0xbd: {  	s0 =	sadd.s32 $0x8F2B, s0  }
0xbe: {  	[sflag:s0] =	ssyncadd.remote.s32 $0x1  }
0xbf: {  	_ =	sfence.sel $0xFFFF  }
0xc0: {  	[dreg:$0x0] =	wrdreg $0xFFFFFFFF;
	(pc) =	sbr.abs _section_cstart, $3  }
0xc1: {  	[dreg:$0x1] =	wrdreg $0xFFFFFFFF  }
0xc2: {  	_ =	task.clear_ibuf [dreg:s6], $0x2FFFF;
	_ =	strace $0x9FFFFFFF  }
0xc3: {  	(tm) =	ssettm $0x7FFFFFFF  }
tec
execute0_lowered:
.L_overlay_start_1:
0x0: {  	(tag) =	ssettag $0x1  }
0x1: {  	s0 =	rddreg [dreg:$0x0]  }
0x2: {  	s1 =	rddreg [dreg:$0x1]  }
0x3: {  	s3 =	rddreg [dreg:$0x2]  }
0x4: {  	s2 =	simm.s32 $0x0;
	s4 =	stileid.u32;
	s5 =	srdreg.scid  }
0x5: {  	s28 =	simm.s32 $0xB880;
	s29 =	simm.s32 $0x1;
	s31 =	simm.s32 $0x9000  }
0x6: {  	[smem:$0x7FF] =	sst s2;
	s15 =	smul.u32 $0x14000, s4;
	s7 =	sadd.s32 $0x13000, s0  }
0x7: {  	s9 =	smul.u32 $0x280, s4;
	s10 =	sand.u32 $0x1, s5;
	s11 =	sadd.s32 $0x2000, s0  }
0x8: {  	s5 =	sadd.s32 $0x23000, s0;
	s6 =	sadd.s32 $0x12600, s0;
	s16 =	smul.u32 $0x500, s4  }
0x9: {  	s20 =	sshll.u32 s4, $0x6;
	s21 =	sshll.u32 s4, $0xB;
	_ =	strace $0x8000004A  }
0xa: {  	s12 =	smul.u32 $0x140000, s10;
	s14 =	sshll.u32 s10, $0x7;
	s17 =	ssub.s32 $0x2, s10  }
0xb: {  	s10 =	sshll.u32 s10, $0xF;
	s8 =	sshrl.u32 s15, $0x3;
	s13 =	sshrl.u32 s9, $0x3  }
0xc: {  	s9 =	sadd.s32 s9, s3;
	s10 =	sor.u32 s21, s10;
	s21 =	simm.s32 $0x50  }
0xd: {  	s8 =	sadd.s32 s8, s0;
	s2 =	sadd.s32 s15, s12;
	s13 =	sadd.s32 s13, s0  }
0xe: {  	s12 =	sor.u32 s14, s16;
	s15 =	smul.u32 $0x50000, s4;
	s16 =	sshrl.u32 s17, $0x1  }
0xf: {  	s23 =	sadd.s32 s7, s10;
	s24 =	sadd.s32 s11, s10;
	s10 =	sor.u32 $0x400, s10  }
0x10: {  	s2 =	sshrl.u32 s2, $0x3;
	s12 =	sshrl.u32 s12, $0x3;
	s18 =	ssub.s32 s17, s16  }
0x11: {  	s8 =	sadd.s32 $0x4B000, s8;
	s22 =	sadd.s32 $0x12000, s13;
	[dreg:$0x6] =	wrdreg s23  }
0x12: {  	[dreg:$0x7] =	wrdreg s24;
	s25 =	sadd.s32 s7, s10;
	s26 =	sadd.s32 s11, s10  }
0x13: {  	s23 =	simm.s32 $0xB800;
	s7 =	simm.s32 $0x2;
	s13 =	simm.s32 $0x5  }
0x14: {  	s16 =	simm.s32 $0x6;
	s10 =	simm.s32 $0x0;
	[dreg:$0x4] =	wrdreg s8  }
0x15: {  	s2 =	sadd.s32 s2, s0;
	s0 =	sadd.s32 s12, s0;
	[dreg:$0x5] =	wrdreg s22  }
0x16: {  	s19 =	sshrl.u32 s15, $0x2;
	s8 =	sor.u32 $0x1C07, s20;
	[dreg:$0x8] =	wrdreg s25  }
0x17: {  	[dreg:$0x9] =	wrdreg s26;
	s30 =	smax.u32 s18, $0x1;
	s18 =	simm.s32 $0x7  }
.Ltmp0:
0x18: {  	s20 =	simm.s32 $0x2000;
	s22 =	simm.s32 $0x4000;
	(pc) =	sbr.rel .LBB2_1-.Ltmp0, $4  }
0x19: {  	s25 =	simm.s32 $0x6800;
	s2 =	sadd.s32 $0x73A00, s2;
	[dreg:$0xc] =	wrdreg s30  }
0x1a: {  	s14 =	sadd.s32 s19, s1;
	s0 =	sadd.s32 $0x73000, s0;
	[dreg:$0xa] =	wrdreg s2  }
0x1b: {  	s12 =	simm.s32 $0x3;
	[dreg:$0xb] =	wrdreg s0;
	s11 =	sshrl.u32 s14, $0x3  }
0x1c: {  	s14 =	sshrl.u32 s9, $0x3;
	s2 =	simm.s32 $0xB900;
	s9 =	simm.s32 $0x4  }
.LBB2_7:
0x1d: {  	_ =	swait.ge [sflag:s16], $0x2800  }
0x1e: {  	[sflag:s16] =	ssyncset.done $0x0  }
0x1f: {  	[sflag:s16] =	ssyncadd.s32 $0xFFFFD800  }
0x20: {  	_ =	swait.ge [sflag:s16], $0x50  }
0x21: {  	[sflag:s16] =	ssyncset.done $0x0  }
0x22: {  	[sflag:s16] =	ssyncadd.s32 $0xFFFFFFB0  }
0x23: {  	[bflag:$0x0] =	sbarrier.arrive $0xFFFF  }
0x24: {  	s4 =	rddreg [dreg:$0xa]  }
0x25: {  	[hbm:s4], [sflag:s8] =	dma.local [spmem:s30], $0x2800  }
0x26: {  	_ =	swait.ge [sflag:s18], $0x2800  }
0x27: {  	s14 =	smov.u32 s0;
	s26 =	simm.s32 $0x20;
	[sflag:s18] =	ssyncset.done $0x0  }
0x28: {  	s15 =	simm.s32 $0x10;
	s24 =	rddreg [dreg:$0xb];
	[sflag:s18] =	ssyncadd.s32 $0xFFFFD800  }
0x29: {  	[hbm:s24@s26], [sflag:s8] =	dma.strided [spmem:s14@s15], $0x50, s29, $0x10   }
0x2a: {  	_ =	swait.ge [sflag:s18], $0x50  }
0x2b: {  	s11 =	smov.u32 s30;
	s10 =	sadd.s32 $0x1, s10;
	s30 =	rddreg [dreg:$0xc]  }
0x2c: {  	p0 =	sne.s32 s10, s30  }
.Ltmp1:
0x2d: {  	_ = 	snop;
	(pc) =	sbr.rel @!p0 .LBB2_8-.Ltmp1, $3  }
0x2e: {  	_ =	sdelay $0x1  }
0x2f: {  	[sflag:s18] =	ssyncset.done $0x0  }
0x30: {  	[sflag:s18] =	ssyncadd.s32 $0xFFFFFFB0  }
.LBB2_1:
0x31: {  	s4 =	rddreg [dreg:$0x4]  }
0x32: {  	[spmem:s11], [sflag:s8] =	dma.local [hbm:s4], $0x2800  }
0x33: {  	_ =	swait.ge [sflag:s18], $0x2800  }
0x34: {  	[sflag:s18] =	ssyncset.done $0x0  }
0x35: {  	s30 =	smov.u32 s11;
	s11 =	rddreg [dreg:$0x5];
	[sflag:s18] =	ssyncadd.s32 $0xFFFFD800  }
0x36: {  	[spmem:s14], [sflag:s8] =	dma.local [hbm:s11], $0x50  }
0x37: {  	_ =	swait.ge [sflag:s18], $0x50  }
0x38: {  	[sflag:s18] =	ssyncset.done $0x0  }
0x39: {  	[sflag:s18] =	ssyncadd.s32 $0xFFFFFFB0  }
0x3a: {  	[bflag:$0x0] =	sbarrier.arrive $0xFFFF  }
0x3b: {  	s0 =	smov.u32 s14;
	s14 =	simm.s32 $0x0;
	s15 =	rddreg [dreg:$0x6]  }
0x3c: {  	[tilespmem:s14], [sflag:$0x7] =	stream.linear.gather [hbm4b:s15+s14], $0x1F80, $0x38;
	[tilespmem:$0x1FC80] =	vst v63  }
0x3d: {  	_ =	swait.ge [sflag:s18], $0x1F80  }
0x3e: {  	[sflag:s18] =	ssyncset.done $0x0  }
0x3f: {  	s17 =	rddreg [dreg:$0x7];
	[sflag:s18] =	ssyncadd.s32 $0xFFFFE080  }
0x40: {  	[tilespmem:s20], [sflag:$0x7] =	stream.linear.gather [hbm4b:s17+s14], $0x1F80, $0x38;
	[tilespmem:$0x1FC80] =	vst v63  }
0x41: {  	_ =	swait.ge [sflag:s18], $0x1F80  }
0x42: {  	[sflag:s18] =	ssyncset.done $0x0  }
0x43: {  	[sflag:s18] =	ssyncadd.s32 $0xFFFFE080  }
0x44: {  	[tilespmem:s22], [sflag:$0x1] =	stream.indirect.gather [hbm4b:s5+s21], $0x80, s14, s21, $0xb8;
	[tilespmem:$0x1FC80] =	vst v63  }
0x45: {  	_ = 	snop  }
0x46: {  	[tilespmem:s23], [sflag:$0x1] =	stream.indirect.gather [hbm4b:s6+s21], $0x1, s20, s21, $0xb8;
	[tilespmem:$0x1FC80] =	vst v63  }
0x47: {  	s19 =	simm.s32 $0x80  }
0x48: {  	[tilespmem:s25], [sflag:$0x2] =	stream.indirect.gather [hbm4b:s5+s21], $0x80, s19, s21, $0xb8;
	[tilespmem:$0x1FC80] =	vst v63  }
0x49: {  	s24 =	simm.s32 $0x2080  }
0x4a: {  	[tilespmem:s28], [sflag:$0x2] =	stream.indirect.gather [hbm4b:s6+s21], $0x1, s24, s21, $0xb8;
	[tilespmem:$0x1FC80] =	vst v63  }
0x4b: {  	_ =	swait.ge [sflag:s29], $0x2800  }
0x4c: {  	[sflag:s29] =	ssyncset.done $0x0  }
0x4d: {  	[sflag:s29] =	ssyncadd.s32 $0xFFFFD800  }
0x4e: {  	_ =	swait.ge [sflag:s29], $0x50  }
0x4f: {  	[sflag:s29] =	ssyncset.done $0x0  }
0x50: {  	[sflag:s29] =	ssyncadd.s32 $0xFFFFFFB0  }
0x51: {  	[spmem:s1] =	stream.indirect.scatter.add.f32 [tilespmem:s22], [sflag:$0x4], $0x80, s20, s21, $0xb8;
	[tilespmem:$0x1FC80] =	vst v63  }
0x52: {  	_ = 	snop  }
0x53: {  	[spmem:s3] =	stream.indirect.scatter.add.f32 [tilespmem:s23], [sflag:$0x4], $0x1, s14, s21, $0xb8;
	[tilespmem:$0x1FC80] =	vst v63  }
0x54: {  	s26 =	simm.s32 $0x100  }
0x55: {  	[tilespmem:s31], [sflag:$0x3] =	stream.indirect.gather [hbm4b:s5+s21], $0x80, s26, s21, $0xb8;
	[tilespmem:$0x1FC80] =	vst v63  }
0x56: {  	s15 =	simm.s32 $0x2100  }
0x57: {  	[tilespmem:s2], [sflag:$0x3] =	stream.indirect.gather [hbm4b:s6+s21], $0x1, s15, s21, $0xb8;
	[tilespmem:$0x1FC80] =	vst v63  }
0x58: {  	_ =	swait.ge [sflag:s7], $0x2800  }
0x59: {  	[sflag:s7] =	ssyncset.done $0x0  }
0x5a: {  	[sflag:s7] =	ssyncadd.s32 $0xFFFFD800  }
0x5b: {  	_ =	swait.ge [sflag:s7], $0x50  }
0x5c: {  	[sflag:s7] =	ssyncset.done $0x0  }
0x5d: {  	[sflag:s7] =	ssyncadd.s32 $0xFFFFFFB0  }
0x5e: {  	[spmem:s1] =	stream.indirect.scatter.add.f32 [tilespmem:s25], [sflag:$0x5], $0x80, s24, s21, $0xb8;
	[tilespmem:$0x1FC80] =	vst v63  }
0x5f: {  	_ = 	snop  }
0x60: {  	[spmem:s3] =	stream.indirect.scatter.add.f32 [tilespmem:s28], [sflag:$0x5], $0x1, s19, s21, $0xb8;
	[tilespmem:$0x1FC80] =	vst v63  }
0x61: {  	_ =	swait.ge [sflag:s9], $0x2800  }
0x62: {  	[sflag:s9] =	ssyncset.done $0x0  }
0x63: {  	[sflag:s9] =	ssyncadd.s32 $0xFFFFD800  }
0x64: {  	_ =	swait.ge [sflag:s9], $0x50  }
0x65: {  	[sflag:s9] =	ssyncset.done $0x0  }
0x66: {  	s17 =	simm.s32 $0x180;
	[sflag:s9] =	ssyncadd.s32 $0xFFFFFFB0  }
0x67: {  	[tilespmem:s22], [sflag:$0x1] =	stream.indirect.gather [hbm4b:s5+s21], $0x80, s17, s21, $0xb8;
	[tilespmem:$0x1FC80] =	vst v63  }
0x68: {  	s19 =	simm.s32 $0x2180  }
0x69: {  	[tilespmem:s23], [sflag:$0x1] =	stream.indirect.gather [hbm4b:s6+s21], $0x1, s19, s21, $0xb8;
	[tilespmem:$0x1FC80] =	vst v63  }
0x6a: {  	_ =	swait.ge [sflag:s12], $0x2800  }
0x6b: {  	[sflag:s12] =	ssyncset.done $0x0  }
0x6c: {  	[sflag:s12] =	ssyncadd.s32 $0xFFFFD800  }
0x6d: {  	_ =	swait.ge [sflag:s12], $0x50  }
0x6e: {  	[sflag:s12] =	ssyncset.done $0x0  }
0x6f: {  	[sflag:s12] =	ssyncadd.s32 $0xFFFFFFB0  }
0x70: {  	[spmem:s1] =	stream.indirect.scatter.add.f32 [tilespmem:s31], [sflag:$0x6], $0x80, s15, s21, $0xb8;
	[tilespmem:$0x1FC80] =	vst v63  }
0x71: {  	_ = 	snop  }
0x72: {  	[spmem:s3] =	stream.indirect.scatter.add.f32 [tilespmem:s2], [sflag:$0x6], $0x1, s26, s21, $0xb8;
	[tilespmem:$0x1FC80] =	vst v63  }
0x73: {  	_ =	swait.ge [sflag:s13], $0x2800  }
0x74: {  	[sflag:s13] =	ssyncset.done $0x0  }
0x75: {  	[sflag:s13] =	ssyncadd.s32 $0xFFFFD800  }
0x76: {  	_ =	swait.ge [sflag:s13], $0x50  }
0x77: {  	[sflag:s13] =	ssyncset.done $0x0  }
0x78: {  	s24 =	simm.s32 $0x200;
	[sflag:s13] =	ssyncadd.s32 $0xFFFFFFB0  }
0x79: {  	[tilespmem:s25], [sflag:$0x2] =	stream.indirect.gather [hbm4b:s5+s21], $0x80, s24, s21, $0xb8;
	[tilespmem:$0x1FC80] =	vst v63  }
0x7a: {  	s11 =	simm.s32 $0x0;
	s26 =	simm.s32 $0x2200  }
0x7b: {  	[tilespmem:s28], [sflag:$0x2] =	stream.indirect.gather [hbm4b:s6+s21], $0x1, s26, s21, $0xb8;
	[tilespmem:$0x1FC80] =	vst v63  }
.LBB2_2:
0x7c: {  	_ =	swait.ge [sflag:s29], $0x2800  }
0x7d: {  	[sflag:s29] =	ssyncset.done $0x0  }
0x7e: {  	[sflag:s29] =	ssyncadd.s32 $0xFFFFD800  }
0x7f: {  	_ =	swait.ge [sflag:s29], $0x50  }
0x80: {  	s14 =	sshra.s32 s11, $0x2;
	[sflag:s29] =	ssyncset.done $0x0  }
0x81: {  	s15 =	sadd.s32 $0x2180, s14;
	[sflag:s29] =	ssyncadd.s32 $0xFFFFFFB0  }
0x82: {  	[spmem:s1] =	stream.indirect.scatter.add.f32 [tilespmem:s22], [sflag:$0x4], $0x80, s15, s21, $0xb8;
	[tilespmem:$0x1FC80] =	vst v63  }
0x83: {  	s24 =	sadd.s32 $0x180, s14  }
0x84: {  	[spmem:s3] =	stream.indirect.scatter.add.f32 [tilespmem:s23], [sflag:$0x4], $0x1, s24, s21, $0xb8;
	[tilespmem:$0x1FC80] =	vst v63  }
0x85: {  	_ =	swait.ge [sflag:s16], $0x2800  }
0x86: {  	[sflag:s16] =	ssyncset.done $0x0  }
0x87: {  	[sflag:s16] =	ssyncadd.s32 $0xFFFFD800  }
0x88: {  	_ =	swait.ge [sflag:s16], $0x50  }
0x89: {  	[sflag:s16] =	ssyncset.done $0x0  }
0x8a: {  	s15 =	sadd.s32 $0x280, s14;
	[sflag:s16] =	ssyncadd.s32 $0xFFFFFFB0  }
0x8b: {  	[tilespmem:s31], [sflag:$0x3] =	stream.indirect.gather [hbm4b:s5+s21], $0x80, s15, s21, $0xb8;
	[tilespmem:$0x1FC80] =	vst v63  }
0x8c: {  	s4 =	sadd.s32 $0x2280, s14  }
0x8d: {  	[tilespmem:s2], [sflag:$0x3] =	stream.indirect.gather [hbm4b:s6+s21], $0x1, s4, s21, $0xb8;
	[tilespmem:$0x1FC80] =	vst v63  }
0x8e: {  	_ =	swait.ge [sflag:s7], $0x2800  }
0x8f: {  	[sflag:s7] =	ssyncset.done $0x0  }
0x90: {  	[sflag:s7] =	ssyncadd.s32 $0xFFFFD800  }
0x91: {  	_ =	swait.ge [sflag:s7], $0x50  }
0x92: {  	[sflag:s7] =	ssyncset.done $0x0  }
0x93: {  	s17 =	sadd.s32 $0x2200, s14;
	[sflag:s7] =	ssyncadd.s32 $0xFFFFFFB0  }
0x94: {  	[spmem:s1] =	stream.indirect.scatter.add.f32 [tilespmem:s25], [sflag:$0x5], $0x80, s17, s21, $0xb8;
	[tilespmem:$0x1FC80] =	vst v63  }
0x95: {  	s26 =	sadd.s32 $0x200, s14  }
0x96: {  	[spmem:s3] =	stream.indirect.scatter.add.f32 [tilespmem:s28], [sflag:$0x5], $0x1, s26, s21, $0xb8;
	[tilespmem:$0x1FC80] =	vst v63  }
0x97: {  	_ =	swait.ge [sflag:s9], $0x2800  }
0x98: {  	[sflag:s9] =	ssyncset.done $0x0  }
0x99: {  	[sflag:s9] =	ssyncadd.s32 $0xFFFFD800  }
0x9a: {  	p0 =	seq.s32 s11, $0x7200;
	_ =	swait.ge [sflag:s9], $0x50  }
0x9b: {  	s24 =	simm.s32 @!p0 $0x50;
	s17 =	sshra.s32 @!p0 s11, $0x2;
	[sflag:s9] =	ssyncset.done $0x0  }
0x9c: {  	s19 =	sadd.s32 @!p0 $0x300, s17;
	s26 =	simm.s32 @!p0 $0x4000;
	[sflag:s9] =	ssyncadd.s32 $0xFFFFFFB0  }
0x9d: {  	[tilespmem:s26], [sflag:$0x1] =	stream.indirect.gather @!p0 [hbm4b:s5+s24], $0x80, s19, s24, $0xb8;
	[tilespmem:$0x1FC80] =	vst v63  }
0x9e: {  	s17 =	sadd.s32 @!p0 $0x2300, s17;
	s19 =	simm.s32 @!p0 $0xB800  }
0x9f: {  	[tilespmem:s19], [sflag:$0x1] =	stream.indirect.gather @!p0 [hbm4b:s6+s24], $0x1, s17, s24, $0xb8;
	[tilespmem:$0x1FC80] =	vst v63  }
0xa0: {  	_ =	swait.ge [sflag:s12], $0x2800  }
0xa1: {  	[sflag:s12] =	ssyncset.done $0x0  }
0xa2: {  	[sflag:s12] =	ssyncadd.s32 $0xFFFFD800  }
0xa3: {  	_ =	swait.ge [sflag:s12], $0x50  }
0xa4: {  	[sflag:s12] =	ssyncset.done $0x0  }
0xa5: {  	[sflag:s12] =	ssyncadd.s32 $0xFFFFFFB0  }
0xa6: {  	[spmem:s1] =	stream.indirect.scatter.add.f32 [tilespmem:s31], [sflag:$0x6], $0x80, s4, s21, $0xb8;
	[tilespmem:$0x1FC80] =	vst v63  }
0xa7: {  	_ = 	snop  }
0xa8: {  	[spmem:s3] =	stream.indirect.scatter.add.f32 [tilespmem:s2], [sflag:$0x6], $0x1, s15, s21, $0xb8;
	[tilespmem:$0x1FC80] =	vst v63  }
0xa9: {  	_ =	swait.ge [sflag:s13], $0x2800  }
.Ltmp2:
0xaa: {  	[sflag:s13] =	ssyncset.done $0x0;
	(pc) =	sbr.rel @p0 .LBB2_4-.Ltmp2, $4  }
0xab: {  	[sflag:s13] =	ssyncadd.s32 $0xFFFFD800  }
0xac: {  	_ =	swait.ge [sflag:s13], $0x50  }
0xad: {  	[sflag:s13] =	ssyncset.done $0x0  }
0xae: {  	[sflag:s13] =	ssyncadd.s32 $0xFFFFFFB0  }
.Ltmp3:
0xaf: {  	(pc) =	sbr.rel .LBB2_2-.Ltmp3, $4  }
0xb0: {  	s4 =	sadd.s32 $0x380, s14  }
0xb1: {  	[tilespmem:s25], [sflag:$0x2] =	stream.indirect.gather [hbm4b:s5+s21], $0x80, s4, s21, $0xb8;
	[tilespmem:$0x1FC80] =	vst v63  }
0xb2: {  	s26 =	sadd.s32 $0x2380, s14;
	s11 =	sadd.s32 $0x600, s11  }
0xb3: {  	[tilespmem:s28], [sflag:$0x2] =	stream.indirect.gather [hbm4b:s6+s21], $0x1, s26, s21, $0xb8;
	[tilespmem:$0x1FC80] =	vst v63  }
.LBB2_4:
0xb4: {  	_ =	swait.ge [sflag:s16], $0x2800  }
0xb5: {  	[sflag:s16] =	ssyncset.done $0x0  }
0xb6: {  	[sflag:s16] =	ssyncadd.s32 $0xFFFFD800  }
0xb7: {  	_ =	swait.ge [sflag:s16], $0x50  }
0xb8: {  	[sflag:s16] =	ssyncset.done $0x0  }
0xb9: {  	s11 =	simm.s32 $0x0;
	s4 =	rddreg [dreg:$0x8];
	[sflag:s16] =	ssyncadd.s32 $0xFFFFFFB0  }
0xba: {  	[tilespmem:s11], [sflag:$0x7] =	stream.linear.gather [hbm4b:s4+s11], $0x1F80, $0x38;
	[tilespmem:$0x1FC80] =	vst v63  }
0xbb: {  	_ =	swait.ge [sflag:s18], $0x1F80  }
0xbc: {  	[sflag:s18] =	ssyncset.done $0x0  }
0xbd: {  	s24 =	rddreg [dreg:$0x9];
	[sflag:s18] =	ssyncadd.s32 $0xFFFFE080  }
0xbe: {  	[tilespmem:s20], [sflag:$0x7] =	stream.linear.gather [hbm4b:s24+s11], $0x1F80, $0x38;
	[tilespmem:$0x1FC80] =	vst v63  }
0xbf: {  	_ =	swait.ge [sflag:s18], $0x1F80  }
0xc0: {  	[sflag:s18] =	ssyncset.done $0x0  }
0xc1: {  	[sflag:s18] =	ssyncadd.s32 $0xFFFFE080  }
0xc2: {  	[tilespmem:s22], [sflag:$0x1] =	stream.indirect.gather [hbm4b:s5+s21], $0x80, s11, s21, $0xb8;
	[tilespmem:$0x1FC80] =	vst v63  }
0xc3: {  	_ = 	snop  }
0xc4: {  	[tilespmem:s23], [sflag:$0x1] =	stream.indirect.gather [hbm4b:s6+s21], $0x1, s20, s21, $0xb8;
	[tilespmem:$0x1FC80] =	vst v63  }
0xc5: {  	s26 =	simm.s32 $0x80  }
0xc6: {  	[tilespmem:s25], [sflag:$0x2] =	stream.indirect.gather [hbm4b:s5+s21], $0x80, s26, s21, $0xb8;
	[tilespmem:$0x1FC80] =	vst v63  }
0xc7: {  	s14 =	simm.s32 $0x2080  }
0xc8: {  	[tilespmem:s28], [sflag:$0x2] =	stream.indirect.gather [hbm4b:s6+s21], $0x1, s14, s21, $0xb8;
	[tilespmem:$0x1FC80] =	vst v63  }
0xc9: {  	_ =	swait.ge [sflag:s29], $0x2800  }
0xca: {  	[sflag:s29] =	ssyncset.done $0x0  }
0xcb: {  	[sflag:s29] =	ssyncadd.s32 $0xFFFFD800  }
0xcc: {  	_ =	swait.ge [sflag:s29], $0x50  }
0xcd: {  	[sflag:s29] =	ssyncset.done $0x0  }
0xce: {  	[sflag:s29] =	ssyncadd.s32 $0xFFFFFFB0  }
0xcf: {  	[spmem:s1] =	stream.indirect.scatter.add.f32 [tilespmem:s22], [sflag:$0x4], $0x80, s20, s21, $0xb8;
	[tilespmem:$0x1FC80] =	vst v63  }
0xd0: {  	_ = 	snop  }
0xd1: {  	[spmem:s3] =	stream.indirect.scatter.add.f32 [tilespmem:s23], [sflag:$0x4], $0x1, s11, s21, $0xb8;
	[tilespmem:$0x1FC80] =	vst v63  }
0xd2: {  	s15 =	simm.s32 $0x100  }
0xd3: {  	[tilespmem:s31], [sflag:$0x3] =	stream.indirect.gather [hbm4b:s5+s21], $0x80, s15, s21, $0xb8;
	[tilespmem:$0x1FC80] =	vst v63  }
0xd4: {  	s17 =	simm.s32 $0x2100  }
0xd5: {  	[tilespmem:s2], [sflag:$0x3] =	stream.indirect.gather [hbm4b:s6+s21], $0x1, s17, s21, $0xb8;
	[tilespmem:$0x1FC80] =	vst v63  }
0xd6: {  	_ =	swait.ge [sflag:s7], $0x2800  }
0xd7: {  	[sflag:s7] =	ssyncset.done $0x0  }
0xd8: {  	[sflag:s7] =	ssyncadd.s32 $0xFFFFD800  }
0xd9: {  	_ =	swait.ge [sflag:s7], $0x50  }
0xda: {  	[sflag:s7] =	ssyncset.done $0x0  }
0xdb: {  	[sflag:s7] =	ssyncadd.s32 $0xFFFFFFB0  }
0xdc: {  	[spmem:s1] =	stream.indirect.scatter.add.f32 [tilespmem:s25], [sflag:$0x5], $0x80, s14, s21, $0xb8;
	[tilespmem:$0x1FC80] =	vst v63  }
0xdd: {  	_ = 	snop  }
0xde: {  	[spmem:s3] =	stream.indirect.scatter.add.f32 [tilespmem:s28], [sflag:$0x5], $0x1, s26, s21, $0xb8;
	[tilespmem:$0x1FC80] =	vst v63  }
0xdf: {  	_ =	swait.ge [sflag:s9], $0x2800  }
0xe0: {  	[sflag:s9] =	ssyncset.done $0x0  }
0xe1: {  	[sflag:s9] =	ssyncadd.s32 $0xFFFFD800  }
0xe2: {  	_ =	swait.ge [sflag:s9], $0x50  }
0xe3: {  	[sflag:s9] =	ssyncset.done $0x0  }
0xe4: {  	s14 =	simm.s32 $0x180;
	[sflag:s9] =	ssyncadd.s32 $0xFFFFFFB0  }
0xe5: {  	[tilespmem:s22], [sflag:$0x1] =	stream.indirect.gather [hbm4b:s5+s21], $0x80, s14, s21, $0xb8;
	[tilespmem:$0x1FC80] =	vst v63  }
0xe6: {  	s19 =	simm.s32 $0x2180  }
0xe7: {  	[tilespmem:s23], [sflag:$0x1] =	stream.indirect.gather [hbm4b:s6+s21], $0x1, s19, s21, $0xb8;
	[tilespmem:$0x1FC80] =	vst v63  }
0xe8: {  	_ =	swait.ge [sflag:s12], $0x2800  }
0xe9: {  	[sflag:s12] =	ssyncset.done $0x0  }
0xea: {  	[sflag:s12] =	ssyncadd.s32 $0xFFFFD800  }
0xeb: {  	_ =	swait.ge [sflag:s12], $0x50  }
0xec: {  	[sflag:s12] =	ssyncset.done $0x0  }
0xed: {  	[sflag:s12] =	ssyncadd.s32 $0xFFFFFFB0  }
0xee: {  	[spmem:s1] =	stream.indirect.scatter.add.f32 [tilespmem:s31], [sflag:$0x6], $0x80, s17, s21, $0xb8;
	[tilespmem:$0x1FC80] =	vst v63  }
0xef: {  	_ = 	snop  }
0xf0: {  	[spmem:s3] =	stream.indirect.scatter.add.f32 [tilespmem:s2], [sflag:$0x6], $0x1, s15, s21, $0xb8;
	[tilespmem:$0x1FC80] =	vst v63  }
0xf1: {  	_ =	swait.ge [sflag:s13], $0x2800  }
0xf2: {  	[sflag:s13] =	ssyncset.done $0x0  }
0xf3: {  	[sflag:s13] =	ssyncadd.s32 $0xFFFFD800  }
0xf4: {  	_ =	swait.ge [sflag:s13], $0x50  }
0xf5: {  	[sflag:s13] =	ssyncset.done $0x0  }
0xf6: {  	s24 =	simm.s32 $0x200;
	[sflag:s13] =	ssyncadd.s32 $0xFFFFFFB0  }
0xf7: {  	[tilespmem:s25], [sflag:$0x2] =	stream.indirect.gather [hbm4b:s5+s21], $0x80, s24, s21, $0xb8;
	[tilespmem:$0x1FC80] =	vst v63  }
0xf8: {  	s26 =	simm.s32 $0x2200  }
0xf9: {  	[tilespmem:s28], [sflag:$0x2] =	stream.indirect.gather [hbm4b:s6+s21], $0x1, s26, s21, $0xb8;
	[tilespmem:$0x1FC80] =	vst v63  }
.LBB2_5:
0xfa: {  	_ =	swait.ge [sflag:s29], $0x2800  }
0xfb: {  	[sflag:s29] =	ssyncset.done $0x0  }
0xfc: {  	[sflag:s29] =	ssyncadd.s32 $0xFFFFD800  }
0xfd: {  	_ =	swait.ge [sflag:s29], $0x50  }
0xfe: {  	s14 =	sshra.s32 s11, $0x2;
	[sflag:s29] =	ssyncset.done $0x0  }
0xff: {  	s4 =	sadd.s32 $0x2180, s14;
	[sflag:s29] =	ssyncadd.s32 $0xFFFFFFB0  }
0x100: {  	[spmem:s1] =	stream.indirect.scatter.add.f32 [tilespmem:s22], [sflag:$0x4], $0x80, s4, s21, $0xb8;
	[tilespmem:$0x1FC80] =	vst v63  }
0x101: {  	s24 =	sadd.s32 $0x180, s14  }
0x102: {  	[spmem:s3] =	stream.indirect.scatter.add.f32 [tilespmem:s23], [sflag:$0x4], $0x1, s24, s21, $0xb8;
	[tilespmem:$0x1FC80] =	vst v63  }
0x103: {  	_ =	swait.ge [sflag:s16], $0x2800  }
0x104: {  	[sflag:s16] =	ssyncset.done $0x0  }
0x105: {  	[sflag:s16] =	ssyncadd.s32 $0xFFFFD800  }
0x106: {  	_ =	swait.ge [sflag:s16], $0x50  }
0x107: {  	[sflag:s16] =	ssyncset.done $0x0  }
0x108: {  	s4 =	sadd.s32 $0x280, s14;
	[sflag:s16] =	ssyncadd.s32 $0xFFFFFFB0  }
0x109: {  	[tilespmem:s31], [sflag:$0x3] =	stream.indirect.gather [hbm4b:s5+s21], $0x80, s4, s21, $0xb8;
	[tilespmem:$0x1FC80] =	vst v63  }
0x10a: {  	s15 =	sadd.s32 $0x2280, s14  }
0x10b: {  	[tilespmem:s2], [sflag:$0x3] =	stream.indirect.gather [hbm4b:s6+s21], $0x1, s15, s21, $0xb8;
	[tilespmem:$0x1FC80] =	vst v63  }
0x10c: {  	_ =	swait.ge [sflag:s7], $0x2800  }
0x10d: {  	[sflag:s7] =	ssyncset.done $0x0  }
0x10e: {  	[sflag:s7] =	ssyncadd.s32 $0xFFFFD800  }
0x10f: {  	_ =	swait.ge [sflag:s7], $0x50  }
0x110: {  	[sflag:s7] =	ssyncset.done $0x0  }
0x111: {  	s17 =	sadd.s32 $0x2200, s14;
	[sflag:s7] =	ssyncadd.s32 $0xFFFFFFB0  }
0x112: {  	[spmem:s1] =	stream.indirect.scatter.add.f32 [tilespmem:s25], [sflag:$0x5], $0x80, s17, s21, $0xb8;
	[tilespmem:$0x1FC80] =	vst v63  }
0x113: {  	s26 =	sadd.s32 $0x200, s14  }
0x114: {  	[spmem:s3] =	stream.indirect.scatter.add.f32 [tilespmem:s28], [sflag:$0x5], $0x1, s26, s21, $0xb8;
	[tilespmem:$0x1FC80] =	vst v63  }
0x115: {  	_ =	swait.ge [sflag:s9], $0x2800  }
0x116: {  	[sflag:s9] =	ssyncset.done $0x0  }
0x117: {  	[sflag:s9] =	ssyncadd.s32 $0xFFFFD800  }
0x118: {  	p0 =	seq.s32 s11, $0x7200;
	_ =	swait.ge [sflag:s9], $0x50  }
0x119: {  	s24 =	simm.s32 @!p0 $0x50;
	s17 =	sshra.s32 @!p0 s11, $0x2;
	[sflag:s9] =	ssyncset.done $0x0  }
0x11a: {  	s19 =	sadd.s32 @!p0 $0x300, s17;
	s26 =	simm.s32 @!p0 $0x4000;
	[sflag:s9] =	ssyncadd.s32 $0xFFFFFFB0  }
0x11b: {  	[tilespmem:s26], [sflag:$0x1] =	stream.indirect.gather @!p0 [hbm4b:s5+s24], $0x80, s19, s24, $0xb8;
	[tilespmem:$0x1FC80] =	vst v63  }
0x11c: {  	s17 =	sadd.s32 @!p0 $0x2300, s17;
	s19 =	simm.s32 @!p0 $0xB800  }
0x11d: {  	[tilespmem:s19], [sflag:$0x1] =	stream.indirect.gather @!p0 [hbm4b:s6+s24], $0x1, s17, s24, $0xb8;
	[tilespmem:$0x1FC80] =	vst v63  }
0x11e: {  	_ =	swait.ge [sflag:s12], $0x2800  }
0x11f: {  	[sflag:s12] =	ssyncset.done $0x0  }
0x120: {  	[sflag:s12] =	ssyncadd.s32 $0xFFFFD800  }
0x121: {  	_ =	swait.ge [sflag:s12], $0x50  }
0x122: {  	[sflag:s12] =	ssyncset.done $0x0  }
0x123: {  	[sflag:s12] =	ssyncadd.s32 $0xFFFFFFB0  }
0x124: {  	[spmem:s1] =	stream.indirect.scatter.add.f32 [tilespmem:s31], [sflag:$0x6], $0x80, s15, s21, $0xb8;
	[tilespmem:$0x1FC80] =	vst v63  }
0x125: {  	_ = 	snop  }
0x126: {  	[spmem:s3] =	stream.indirect.scatter.add.f32 [tilespmem:s2], [sflag:$0x6], $0x1, s4, s21, $0xb8;
	[tilespmem:$0x1FC80] =	vst v63  }
0x127: {  	_ =	swait.ge [sflag:s13], $0x2800  }
.Ltmp4:
0x128: {  	[sflag:s13] =	ssyncset.done $0x0;
	(pc) =	sbr.rel @p0 .LBB2_7-.Ltmp4, $4  }
0x129: {  	[sflag:s13] =	ssyncadd.s32 $0xFFFFD800  }
0x12a: {  	_ =	swait.ge [sflag:s13], $0x50  }
0x12b: {  	[sflag:s13] =	ssyncset.done $0x0  }
0x12c: {  	[sflag:s13] =	ssyncadd.s32 $0xFFFFFFB0  }
.Ltmp5:
0x12d: {  	(pc) =	sbr.rel .LBB2_5-.Ltmp5, $4  }
0x12e: {  	s4 =	sadd.s32 $0x380, s14  }
0x12f: {  	[tilespmem:s25], [sflag:$0x2] =	stream.indirect.gather [hbm4b:s5+s21], $0x80, s4, s21, $0xb8;
	[tilespmem:$0x1FC80] =	vst v63  }
0x130: {  	s26 =	sadd.s32 $0x2380, s14;
	s11 =	sadd.s32 $0x600, s11  }
0x131: {  	[tilespmem:s28], [sflag:$0x2] =	stream.indirect.gather [hbm4b:s6+s21], $0x1, s26, s21, $0xb8;
	[tilespmem:$0x1FC80] =	vst v63  }
.LBB2_8:
0x132: {  	_ =	sfence.sel $0x180000  }
0x133: {  	[bflag:$0x0] =	sbarrier.arrive $0xFFFF  }
0x134: {  	_ =	strace $0x9000004A  }
0x135: {  	s0 =	stileid.u32;
	[bflag:$0x2] =	sbarrier.arrive $0xFFFF  }
0x136: {  	p0 =	sne.s32 s0, $0x0;
	s0 =	rddreg [dreg:$0x3]  }
0x137: {  	s0 =	sadd.s32 @!p0 $0x100000, s0  }
0x138: {  	[sflag:s0] =	ssyncadd.tile.s32 @!p0 $0x1;
	_ =	shalt  }
.Lfunc_end2:
_tile_overlayer_lowered:
.L_overlay_start_2:
0x139: {  	(tag) =	ssettag $0x2  }
0x13a: {  	s0 =	rddreg [dreg:$0x0];
	s2 =	stileid.u32  }
0x13b: {  	s1 =	rddreg [dreg:$0x1];
	p0 =	sne.s32 s2, $0x0  }
0x13c: {  	s3 =	rddreg [dreg:$0x2];
	[bflag:$0x3] =	sbarrier.arrive $0xFFFF;
	s2 =	simm.s32 @!p0 $0x1C07  }
0x13d: {  	[timem:s3], [sflag:s2] =	dma.local @!p0 [hbm:s0], s1  }
0x13e: {  	s0 =	simm.s32 @!p0 $0x7  }
0x13f: {  	_ =	swait.ge @!p0 [sflag:s0], s1  }
0x140: {  	s1 =	ssub.s32 @!p0 $0x0, s1;
	[sflag:s0] =	ssyncset.done @!p0 $0x0  }
0x141: {  	[sflag:s0] =	ssyncadd.s32 @!p0 s1  }
0x142: {  	[bflag:$0x3] =	sbarrier.arrive $0xFFFF  }
0x143: {  	_ =	shalt  }

</sc_bundles>
